<compile_context>
chip_gen: v7x
topology: tpu7x:2x2x1
jax: 0.10.2.dev20260603
libtpu: 0.0.44.dev20260713+nightly
codegen_flags: <defaults>
</compile_context>

<pallas_src>
import functools

import jax
import jax.numpy as jnp
from jax import lax
from jax.experimental import pallas as pl
from jax.experimental.pallas import tpu as pltpu
from jax.experimental.pallas import tpu_sc as plsc

N_NODES_P = 10000
N_EDGES_P = 320000
D_NODE_P = 128
D_EDGE_P = 16
D_OUT_P = D_NODE_P + D_EDGE_P



def _make_proj_t_body(x_contract_dim):
    def _proj_t_body(w_ref, x_ref, b_ref, o_ref):
        o_ref[...] = (
            lax.dot_general(
                w_ref[...], x_ref[...], (((0,), (x_contract_dim,)), ((), ())),
                preferred_element_type=jnp.float32,
            )
            + b_ref[...]
        )

    return _proj_t_body


def _project_t(x, W, b, block_cols, x_transposed):
    if x_transposed:
        d_in, n = x.shape
        x_dim = 0
        x_spec = pl.BlockSpec((d_in, block_cols), lambda i: (0, i))
    else:
        n, d_in = x.shape
        x_dim = 1
        x_spec = pl.BlockSpec((block_cols, d_in), lambda i: (i, 0))
    d_out = W.shape[1]
    grid = n // block_cols
    return pl.pallas_call(
        _make_proj_t_body(x_dim),
        grid=(grid,),
        in_specs=[
            pl.BlockSpec((d_in, d_out), lambda i: (0, 0)),
            x_spec,
            pl.BlockSpec((d_out, 1), lambda i: (0, 0)),
        ],
        out_specs=pl.BlockSpec((d_out, block_cols), lambda i: (0, i)),
        out_shape=jax.ShapeDtypeStruct((d_out, n), jnp.float32),
    )(W, x, b.reshape(d_out, 1))



_NC = 2
_NS = 16
_NW = _NC * _NS
_RG = 8
_NG = D_NODE_P // _RG
_NH = _NW // _NG
_EH = N_EDGES_P // _NH
_NP = 10240
_NT = _NP // 128
_C = 1280
_CT = _C // 128
_NCH = _EH // _C
_CP = 640
_NPT = 25
_EPT = N_EDGES_P // _NPT
_NPI = _EPT // (2 * _CP)


def _sc_assemble(hv_t, idx, hp_t):
    mesh = plsc.VectorSubcoreMesh(core_axis_name="c", subcore_axis_name="s")

    @functools.partial(
        pl.kernel,
        out_type=jax.ShapeDtypeStruct((D_OUT_P, N_EDGES_P), jnp.float32),
        mesh=mesh,
        compiler_params=pltpu.CompilerParams(needs_layout_passes=False),
        scratch_types=[
            pltpu.VMEM((_RG * _NP,), jnp.float32),
            pltpu.VMEM((_C,), jnp.int32),
            pltpu.VMEM((_C,), jnp.int32),
            pltpu.VMEM((_RG, _C), jnp.float32),
            pltpu.VMEM((_RG, _C), jnp.float32),
            pltpu.VMEM((8, _CP), jnp.float32),
            pltpu.VMEM((8, _CP), jnp.float32),
            pltpu.VMEM((8, _CP), jnp.float32),
            pltpu.VMEM((8, _CP), jnp.float32),
            pltpu.SemaphoreType.DMA,
            pltpu.SemaphoreType.DMA,
            pltpu.SemaphoreType.DMA,
            pltpu.SemaphoreType.DMA,
            pltpu.SemaphoreType.DMA,
            pltpu.SemaphoreType.DMA,
        ],
    )
    def body(
        hv_hbm, idx_hbm, hp_hbm, out_hbm,
        table_v, ix0, ix1, ob0, ob1, pa0, pa1, pb0, pb1,
        sI0, sI1, sO0, sO1, sPi, sPo,
    ):
        wid = lax.axis_index("s") * _NC + lax.axis_index("c")
        g = wid % _NG
        h = wid // _NG

        for f in range(_RG):
            pltpu.async_copy(
                hv_hbm.at[pl.ds((g * _RG + f) * _NP, _NP)],
                table_v.at[pl.ds(f * _NP, _NP)],
                sO0,
            )

        def idx_start(c, buf, sem):
            pltpu.async_copy(idx_hbm.at[pl.ds(h * _EH + c * _C, _C)], buf, sem)

        def idx_wait(buf, sem):
            pltpu.make_async_copy(idx_hbm.at[pl.ds(0, _C)], buf, sem).wait()

        def out_start(c, buf, sem):
            pltpu.async_copy(
                buf,
                out_hbm.at[pl.ds(g * _RG, _RG), pl.ds(h * _EH + c * _C, _C)],
                sem,
            )

        def out_wait(buf, sem):
            pltpu.make_async_copy(
                out_hbm.at[pl.ds(0, _RG), pl.ds(0, _C)], buf, sem
            ).wait()

        def gather_into(buf_i, buf_o):
            def grp(j):
                iv = buf_i[pl.ds(j * 16, 16)]
                for f in range(_RG):
                    buf_o[f, pl.ds(j * 16, 16)] = plsc.load_gather(
                        table_v, [iv + (f * _NP)]
                    )

            plsc.parallel_loop(0, _C // 16, 1, unroll=8)(grp)

        is_proj = wid < _NPT

        def pj_wait(buf, sem):
            pltpu.make_async_copy(
                hp_hbm.at[pl.ds(0, 8), pl.ds(0, _CP)], buf, sem
            ).wait()

        def pj_wait4(sem):
            pj_wait(pa0, sem)
            pj_wait(pa1, sem)
            pj_wait(pb0, sem)
            pj_wait(pb1, sem)

        def pj_in(off):
            pltpu.async_copy(hp_hbm.at[pl.ds(0, 8), pl.ds(off, _CP)], pa0, sPi)
            pltpu.async_copy(hp_hbm.at[pl.ds(8, 8), pl.ds(off, _CP)], pa1, sPi)
            off2 = off + _CP
            pltpu.async_copy(hp_hbm.at[pl.ds(0, 8), pl.ds(off2, _CP)], pb0, sPi)
            pltpu.async_copy(hp_hbm.at[pl.ds(8, 8), pl.ds(off2, _CP)], pb1, sPi)

        def pj_out(off):
            pltpu.async_copy(
                pa0, out_hbm.at[pl.ds(D_NODE_P, 8), pl.ds(off, _CP)], sPo
            )
            pltpu.async_copy(
                pa1, out_hbm.at[pl.ds(D_NODE_P + 8, 8), pl.ds(off, _CP)], sPo
            )
            off2 = off + _CP
            pltpu.async_copy(
                pb0, out_hbm.at[pl.ds(D_NODE_P, 8), pl.ds(off2, _CP)], sPo
            )
            pltpu.async_copy(
                pb1, out_hbm.at[pl.ds(D_NODE_P + 8, 8), pl.ds(off2, _CP)], sPo
            )

        idx_start(0, ix0, sI0)
        for f in range(_RG):
            pltpu.make_async_copy(
                hv_hbm.at[pl.ds(0, _NP)],
                table_v.at[pl.ds(f * _NP, _NP)],
                sO0,
            ).wait()

        def pair(i2, carry):
            a = 2 * i2
            idx_start(a + 1, ix1, sI1)

            @pl.when(is_proj & (i2 > 0) & (i2 <= _NPI))
            def _():
                pj_wait4(sPo)

            @pl.when(is_proj & (i2 < _NPI))
            def _():
                pj_in(wid * _EPT + i2 * 2 * _CP)

            idx_wait(ix0, sI0)

            @pl.when(i2 > 0)
            def _():
                out_wait(ob0, sO0)

            gather_into(ix0, ob0)
            out_start(a, ob0, sO0)
            idx_start(a + 2, ix0, sI0)

            @pl.when(is_proj & (i2 < _NPI))
            def _():
                pj_wait4(sPi)
                pj_out(wid * _EPT + i2 * 2 * _CP)

            idx_wait(ix1, sI1)

            @pl.when(i2 > 0)
            def _():
                out_wait(ob1, sO1)

            gather_into(ix1, ob1)
            out_start(a + 1, ob1, sO1)
            return carry

        lax.fori_loop(0, (_NCH - 1) // 2, pair, 0)

        idx_wait(ix0, sI0)
        out_wait(ob0, sO0)
        gather_into(ix0, ob0)
        out_start(_NCH - 1, ob0, sO0)
        out_wait(ob0, sO0)
        out_wait(ob1, sO1)

    return body(hv_t, idx, hp_t)


def kernel(node_feats, edge_index, edge_feats, W_n, b_n, W_e, b_e):
    src = edge_index[0].astype(jnp.int32)
    x_pad = jnp.pad(node_feats, ((0, _NP - N_NODES_P), (0, 0)))
    hv_t = _project_t(x_pad, W_n, b_n, _NP, x_transposed=False)
    hp_t = _project_t(edge_feats.T, W_e, b_e, 32000, x_transposed=True)
    out_t = _sc_assemble(hv_t.reshape(-1), src, hp_t)
    return out_t.T

# --- scband reference (transcript-rebuilt; emitter-appended) ---
"""Pipeline reference for scband-input-initializer-489626272404 (READ-ONLY COPY).

The authoritative reference and input builder live on the scoring server;
editing this copy changes nothing except your own understanding.
"""

import jax, jax.numpy as jnp
import numpy as np

N_NODES = 10000
N_EDGES = 320000
D_NODE = 128
D_EDGE = 16


def setup_inputs(seed: int = 0) -> dict:
    key = jax.random.key(seed)
    k1, k2, k3, k4, k5, k6, k7 = jax.random.split(key, 7)
    node_feats = jax.random.normal(k1, (N_NODES, D_NODE), dtype=jnp.float32)
    edge_index = jax.random.randint(k2, (2, N_EDGES), 0, N_NODES, dtype=jnp.int64)
    edge_feats = jax.random.normal(k3, (N_EDGES, D_EDGE), dtype=jnp.float32)
    # nn.Linear params (kaiming-uniform-ish init approximated with uniform)
    bound_n = 1.0 / np.sqrt(D_NODE)
    W_n = jax.random.uniform(k4, (D_NODE, D_NODE), minval=-bound_n, maxval=bound_n, dtype=jnp.float32)
    b_n = jax.random.uniform(k5, (D_NODE,), minval=-bound_n, maxval=bound_n, dtype=jnp.float32)
    bound_e = 1.0 / np.sqrt(D_EDGE)
    W_e = jax.random.uniform(k6, (D_EDGE, D_EDGE), minval=-bound_e, maxval=bound_e, dtype=jnp.float32)
    b_e = jax.random.uniform(k7, (D_EDGE,), minval=-bound_e, maxval=bound_e, dtype=jnp.float32)
    return {
        "node_feats": node_feats,
        "edge_index": edge_index,
        "edge_feats": edge_feats,
        "W_n": W_n,
        "b_n": b_n,
        "W_e": W_e,
        "b_e": b_e,
    }


def reference(node_feats, edge_index, edge_feats, W_n, b_n, W_e, b_e):
    # project nodes / edges (nn.Linear: x @ W.T + b; here W stored as [in, out])
    hv = node_feats @ W_n + b_n
    he_proj = edge_feats @ W_e + b_e
    # bg.apply_edges(fn.copy_u('hv','he')): gather source node reps per edge
    src = edge_index[0]
    he = jnp.take(hv, src, axis=0)
    return jnp.concatenate([he, he_proj], axis=1)

if __name__ == "__main__":
    import jax
    _d = setup_inputs()
    print(jax.jit(kernel)(*tuple(_d.values())))

</pallas_src>

<mosaic_0001>
#map = affine_map<(d0, d1) -> (0)>
#map1 = affine_map<(d0, d1) -> (0, 0)>
module attributes {stable_mosaic.version = 14 : i64} {
  func.func @body(%arg0: i32, %arg1: i32, %arg2: memref<1310720xf32, #tpu.memory_space<hbm>>, %arg3: memref<320000xi32, #tpu.memory_space<hbm>>, %arg4: memref<16x320000xf32, #tpu.memory_space<hbm>>, %arg5: memref<144x320000xf32, #tpu.memory_space<hbm>>, %arg6: memref<81920xf32, #tpu.memory_space<vmem>>, %arg7: memref<1280xi32, #tpu.memory_space<vmem>>, %arg8: memref<1280xi32, #tpu.memory_space<vmem>>, %arg9: memref<8x1280xf32, #tpu.memory_space<vmem>>, %arg10: memref<8x1280xf32, #tpu.memory_space<vmem>>, %arg11: memref<8x640xf32, #tpu.memory_space<vmem>>, %arg12: memref<8x640xf32, #tpu.memory_space<vmem>>, %arg13: memref<8x640xf32, #tpu.memory_space<vmem>>, %arg14: memref<8x640xf32, #tpu.memory_space<vmem>>, %arg15: memref<!tpu.dma_semaphore, #tpu.memory_space<semaphore_mem>>, %arg16: memref<!tpu.dma_semaphore, #tpu.memory_space<semaphore_mem>>, %arg17: memref<!tpu.dma_semaphore, #tpu.memory_space<semaphore_mem>>, %arg18: memref<!tpu.dma_semaphore, #tpu.memory_space<semaphore_mem>>, %arg19: memref<!tpu.dma_semaphore, #tpu.memory_space<semaphore_mem>>, %arg20: memref<!tpu.dma_semaphore, #tpu.memory_space<semaphore_mem>>) attributes {dimension_semantics = [#tpu.dimension_semantics<core_parallel>, #tpu.dimension_semantics<subcore_parallel>], iteration_bounds = array<i64: 2, 16>, scalar_prefetch = 0 : i64, scratch_operands = 15 : i64, tpu.core_type = #tpu.core_type<sc_vector_subcore>, window_params = [{transform_indices = #map}, {transform_indices = #map}, {transform_indices = #map1}, {transform_indices = #map1}]} {
    %mul3A = arith.constant 2 : i32
    %mul3A_0 = arith.muli %arg1, %mul3A : i32
    %add3A = arith.addi %mul3A_0, %arg0 : i32
    %jit3A = arith.constant 16 : i32
    %eq3A = arith.constant 0 : i32
    %eq3A_1 = arith.cmpi eq, %jit3A, %eq3A : i32
    %jit3A_2 = arith.constant 1 : i32
    %select_n3A = arith.select %eq3A_1, %jit3A_2, %jit3A : i32
    %rem3A = arith.remsi %add3A, %select_n3A : i32
    %ne3A = arith.constant 0 : i32
    %ne3A_3 = arith.cmpi ne, %rem3A, %ne3A : i32
    %lt3A = arith.constant 0 : i32
    %lt3A_4 = arith.cmpi slt, %rem3A, %lt3A : i32
    %lt3A_5 = arith.constant 0 : i32
    %lt3A_6 = arith.cmpi slt, %select_n3A, %lt3A_5 : i32
    %ne3A_7 = arith.xori %lt3A_4, %lt3A_6 : i1
    %and3A = arith.andi %ne3A_7, %ne3A_3 : i1
    %add3A_8 = arith.addi %rem3A, %select_n3A : i32
    %select_n3A_9 = arith.select %and3A, %add3A_8, %rem3A : i32
    %jit3A_10 = arith.constant 16 : i32
    %div3A = arith.divsi %add3A, %jit3A_10 : i32
    %sign3A = arith.constant 0 : i32
    %sign3A_11 = arith.cmpi sgt, %add3A, %sign3A : i32
    %sign3A_12 = arith.extui %sign3A_11 : i1 to i32
    %sign3A_13 = arith.constant 0 : i32
    %sign3A_14 = arith.cmpi slt, %add3A, %sign3A_13 : i32
    %sign3A_15 = arith.extui %sign3A_14 : i1 to i32
    %sign3A_16 = arith.subi %sign3A_12, %sign3A_15 : i32
    %sign3A_17 = arith.constant 0 : i32
    %sign3A_18 = arith.cmpi sgt, %jit3A_10, %sign3A_17 : i32
    %sign3A_19 = arith.extui %sign3A_18 : i1 to i32
    %sign3A_20 = arith.constant 0 : i32
    %sign3A_21 = arith.cmpi slt, %jit3A_10, %sign3A_20 : i32
    %sign3A_22 = arith.extui %sign3A_21 : i1 to i32
    %sign3A_23 = arith.subi %sign3A_19, %sign3A_22 : i32
    %ne3A_24 = arith.cmpi ne, %sign3A_16, %sign3A_23 : i32
    %rem3A_25 = arith.remsi %add3A, %jit3A_10 : i32
    %ne3A_26 = arith.constant 0 : i32
    %ne3A_27 = arith.cmpi ne, %rem3A_25, %ne3A_26 : i32
    %and3A_28 = arith.andi %ne3A_24, %ne3A_27 : i1
    %sub3A = arith.constant 1 : i32
    %sub3A_29 = arith.subi %div3A, %sub3A : i32
    %select_n3A_30 = arith.select %and3A_28, %sub3A_29, %div3A : i32
    %mul3A_31 = arith.constant 8 : i32
    %mul3A_32 = arith.muli %select_n3A_9, %mul3A_31 : i32
    %add3A_33 = arith.constant 0 : i32
    %add3A_34 = arith.addi %mul3A_32, %add3A_33 : i32
    %mul3A_35 = arith.constant 10240 : i32
    %mul3A_36 = arith.muli %add3A_34, %mul3A_35 : i32
    %dma_start3A = arith.constant 0 : i32
    %dma_start3A_37 = tpu.memref_slice %arg6[%dma_start3A] : memref<81920xf32, #tpu.memory_space<vmem>> -> memref<10240xf32, #tpu.memory_space<vmem>>
    %dma_start3A_38 = tpu.memref_slice %arg2[%mul3A_36] : memref<1310720xf32, #tpu.memory_space<hbm>> -> memref<10240xf32, #tpu.memory_space<hbm>>
    %dma_start3A_39 = arith.constant 0 : i32
    %dma_start3A_40 = tpu.memref_slice %arg6[%dma_start3A_39] : memref<81920xf32, #tpu.memory_space<vmem>> -> memref<10240xf32, #tpu.memory_space<vmem>>
    %dma_start3A_41 = tpu.memref_slice %arg2[%mul3A_36] : memref<1310720xf32, #tpu.memory_space<hbm>> -> memref<10240xf32, #tpu.memory_space<hbm>>
    tpu.enqueue_dma source(%dma_start3A_41 : memref<10240xf32, #tpu.memory_space<hbm>>) target(%dma_start3A_40 : memref<10240xf32, #tpu.memory_space<vmem>>) target_semaphore(%arg17 : memref<!tpu.dma_semaphore, #tpu.memory_space<semaphore_mem>>)
    %mul3A_42 = arith.constant 8 : i32
    %mul3A_43 = arith.muli %select_n3A_9, %mul3A_42 : i32
    %add3A_44 = arith.constant 1 : i32
    %add3A_45 = arith.addi %mul3A_43, %add3A_44 : i32
    %mul3A_46 = arith.constant 10240 : i32
    %mul3A_47 = arith.muli %add3A_45, %mul3A_46 : i32
    %dma_start3A_48 = arith.constant 10240 : i32
    %dma_start3A_49 = tpu.memref_slice %arg6[%dma_start3A_48] : memref<81920xf32, #tpu.memory_space<vmem>> -> memref<10240xf32, #tpu.memory_space<vmem>>
    %dma_start3A_50 = tpu.memref_slice %arg2[%mul3A_47] : memref<1310720xf32, #tpu.memory_space<hbm>> -> memref<10240xf32, #tpu.memory_space<hbm>>
    %dma_start3A_51 = arith.constant 10240 : i32
    %dma_start3A_52 = tpu.memref_slice %arg6[%dma_start3A_51] : memref<81920xf32, #tpu.memory_space<vmem>> -> memref<10240xf32, #tpu.memory_space<vmem>>
    %dma_start3A_53 = tpu.memref_slice %arg2[%mul3A_47] : memref<1310720xf32, #tpu.memory_space<hbm>> -> memref<10240xf32, #tpu.memory_space<hbm>>
    tpu.enqueue_dma source(%dma_start3A_53 : memref<10240xf32, #tpu.memory_space<hbm>>) target(%dma_start3A_52 : memref<10240xf32, #tpu.memory_space<vmem>>) target_semaphore(%arg17 : memref<!tpu.dma_semaphore, #tpu.memory_space<semaphore_mem>>)
    %mul3A_54 = arith.constant 8 : i32
    %mul3A_55 = arith.muli %select_n3A_9, %mul3A_54 : i32
    %add3A_56 = arith.constant 2 : i32
    %add3A_57 = arith.addi %mul3A_55, %add3A_56 : i32
    %mul3A_58 = arith.constant 10240 : i32
    %mul3A_59 = arith.muli %add3A_57, %mul3A_58 : i32
    %dma_start3A_60 = arith.constant 20480 : i32
    %dma_start3A_61 = tpu.memref_slice %arg6[%dma_start3A_60] : memref<81920xf32, #tpu.memory_space<vmem>> -> memref<10240xf32, #tpu.memory_space<vmem>>
    %dma_start3A_62 = tpu.memref_slice %arg2[%mul3A_59] : memref<1310720xf32, #tpu.memory_space<hbm>> -> memref<10240xf32, #tpu.memory_space<hbm>>
    %dma_start3A_63 = arith.constant 20480 : i32
    %dma_start3A_64 = tpu.memref_slice %arg6[%dma_start3A_63] : memref<81920xf32, #tpu.memory_space<vmem>> -> memref<10240xf32, #tpu.memory_space<vmem>>
    %dma_start3A_65 = tpu.memref_slice %arg2[%mul3A_59] : memref<1310720xf32, #tpu.memory_space<hbm>> -> memref<10240xf32, #tpu.memory_space<hbm>>
    tpu.enqueue_dma source(%dma_start3A_65 : memref<10240xf32, #tpu.memory_space<hbm>>) target(%dma_start3A_64 : memref<10240xf32, #tpu.memory_space<vmem>>) target_semaphore(%arg17 : memref<!tpu.dma_semaphore, #tpu.memory_space<semaphore_mem>>)
    %mul3A_66 = arith.constant 8 : i32
    %mul3A_67 = arith.muli %select_n3A_9, %mul3A_66 : i32
    %add3A_68 = arith.constant 3 : i32
    %add3A_69 = arith.addi %mul3A_67, %add3A_68 : i32
    %mul3A_70 = arith.constant 10240 : i32
    %mul3A_71 = arith.muli %add3A_69, %mul3A_70 : i32
    %dma_start3A_72 = arith.constant 30720 : i32
    %dma_start3A_73 = tpu.memref_slice %arg6[%dma_start3A_72] : memref<81920xf32, #tpu.memory_space<vmem>> -> memref<10240xf32, #tpu.memory_space<vmem>>
    %dma_start3A_74 = tpu.memref_slice %arg2[%mul3A_71] : memref<1310720xf32, #tpu.memory_space<hbm>> -> memref<10240xf32, #tpu.memory_space<hbm>>
    %dma_start3A_75 = arith.constant 30720 : i32
    %dma_start3A_76 = tpu.memref_slice %arg6[%dma_start3A_75] : memref<81920xf32, #tpu.memory_space<vmem>> -> memref<10240xf32, #tpu.memory_space<vmem>>
    %dma_start3A_77 = tpu.memref_slice %arg2[%mul3A_71] : memref<1310720xf32, #tpu.memory_space<hbm>> -> memref<10240xf32, #tpu.memory_space<hbm>>
    tpu.enqueue_dma source(%dma_start3A_77 : memref<10240xf32, #tpu.memory_space<hbm>>) target(%dma_start3A_76 : memref<10240xf32, #tpu.memory_space<vmem>>) target_semaphore(%arg17 : memref<!tpu.dma_semaphore, #tpu.memory_space<semaphore_mem>>)
    %mul3A_78 = arith.constant 8 : i32
    %mul3A_79 = arith.muli %select_n3A_9, %mul3A_78 : i32
    %add3A_80 = arith.constant 4 : i32
    %add3A_81 = arith.addi %mul3A_79, %add3A_80 : i32
    %mul3A_82 = arith.constant 10240 : i32
    %mul3A_83 = arith.muli %add3A_81, %mul3A_82 : i32
    %dma_start3A_84 = arith.constant 40960 : i32
    %dma_start3A_85 = tpu.memref_slice %arg6[%dma_start3A_84] : memref<81920xf32, #tpu.memory_space<vmem>> -> memref<10240xf32, #tpu.memory_space<vmem>>
    %dma_start3A_86 = tpu.memref_slice %arg2[%mul3A_83] : memref<1310720xf32, #tpu.memory_space<hbm>> -> memref<10240xf32, #tpu.memory_space<hbm>>
    %dma_start3A_87 = arith.constant 40960 : i32
    %dma_start3A_88 = tpu.memref_slice %arg6[%dma_start3A_87] : memref<81920xf32, #tpu.memory_space<vmem>> -> memref<10240xf32, #tpu.memory_space<vmem>>
    %dma_start3A_89 = tpu.memref_slice %arg2[%mul3A_83] : memref<1310720xf32, #tpu.memory_space<hbm>> -> memref<10240xf32, #tpu.memory_space<hbm>>
    tpu.enqueue_dma source(%dma_start3A_89 : memref<10240xf32, #tpu.memory_space<hbm>>) target(%dma_start3A_88 : memref<10240xf32, #tpu.memory_space<vmem>>) target_semaphore(%arg17 : memref<!tpu.dma_semaphore, #tpu.memory_space<semaphore_mem>>)
    %mul3A_90 = arith.constant 8 : i32
    %mul3A_91 = arith.muli %select_n3A_9, %mul3A_90 : i32
    %add3A_92 = arith.constant 5 : i32
    %add3A_93 = arith.addi %mul3A_91, %add3A_92 : i32
    %mul3A_94 = arith.constant 10240 : i32
    %mul3A_95 = arith.muli %add3A_93, %mul3A_94 : i32
    %dma_start3A_96 = arith.constant 51200 : i32
    %dma_start3A_97 = tpu.memref_slice %arg6[%dma_start3A_96] : memref<81920xf32, #tpu.memory_space<vmem>> -> memref<10240xf32, #tpu.memory_space<vmem>>
    %dma_start3A_98 = tpu.memref_slice %arg2[%mul3A_95] : memref<1310720xf32, #tpu.memory_space<hbm>> -> memref<10240xf32, #tpu.memory_space<hbm>>
    %dma_start3A_99 = arith.constant 51200 : i32
    %dma_start3A_100 = tpu.memref_slice %arg6[%dma_start3A_99] : memref<81920xf32, #tpu.memory_space<vmem>> -> memref<10240xf32, #tpu.memory_space<vmem>>
    %dma_start3A_101 = tpu.memref_slice %arg2[%mul3A_95] : memref<1310720xf32, #tpu.memory_space<hbm>> -> memref<10240xf32, #tpu.memory_space<hbm>>
    tpu.enqueue_dma source(%dma_start3A_101 : memref<10240xf32, #tpu.memory_space<hbm>>) target(%dma_start3A_100 : memref<10240xf32, #tpu.memory_space<vmem>>) target_semaphore(%arg17 : memref<!tpu.dma_semaphore, #tpu.memory_space<semaphore_mem>>)
    %mul3A_102 = arith.constant 8 : i32
    %mul3A_103 = arith.muli %select_n3A_9, %mul3A_102 : i32
    %add3A_104 = arith.constant 6 : i32
    %add3A_105 = arith.addi %mul3A_103, %add3A_104 : i32
    %mul3A_106 = arith.constant 10240 : i32
    %mul3A_107 = arith.muli %add3A_105, %mul3A_106 : i32
    %dma_start3A_108 = arith.constant 61440 : i32
    %dma_start3A_109 = tpu.memref_slice %arg6[%dma_start3A_108] : memref<81920xf32, #tpu.memory_space<vmem>> -> memref<10240xf32, #tpu.memory_space<vmem>>
    %dma_start3A_110 = tpu.memref_slice %arg2[%mul3A_107] : memref<1310720xf32, #tpu.memory_space<hbm>> -> memref<10240xf32, #tpu.memory_space<hbm>>
    %dma_start3A_111 = arith.constant 61440 : i32
    %dma_start3A_112 = tpu.memref_slice %arg6[%dma_start3A_111] : memref<81920xf32, #tpu.memory_space<vmem>> -> memref<10240xf32, #tpu.memory_space<vmem>>
    %dma_start3A_113 = tpu.memref_slice %arg2[%mul3A_107] : memref<1310720xf32, #tpu.memory_space<hbm>> -> memref<10240xf32, #tpu.memory_space<hbm>>
    tpu.enqueue_dma source(%dma_start3A_113 : memref<10240xf32, #tpu.memory_space<hbm>>) target(%dma_start3A_112 : memref<10240xf32, #tpu.memory_space<vmem>>) target_semaphore(%arg17 : memref<!tpu.dma_semaphore, #tpu.memory_space<semaphore_mem>>)
    %mul3A_114 = arith.constant 8 : i32
    %mul3A_115 = arith.muli %select_n3A_9, %mul3A_114 : i32
    %add3A_116 = arith.constant 7 : i32
    %add3A_117 = arith.addi %mul3A_115, %add3A_116 : i32
    %mul3A_118 = arith.constant 10240 : i32
    %mul3A_119 = arith.muli %add3A_117, %mul3A_118 : i32
    %dma_start3A_120 = arith.constant 71680 : i32
    %dma_start3A_121 = tpu.memref_slice %arg6[%dma_start3A_120] : memref<81920xf32, #tpu.memory_space<vmem>> -> memref<10240xf32, #tpu.memory_space<vmem>>
    %dma_start3A_122 = tpu.memref_slice %arg2[%mul3A_119] : memref<1310720xf32, #tpu.memory_space<hbm>> -> memref<10240xf32, #tpu.memory_space<hbm>>
    %dma_start3A_123 = arith.constant 71680 : i32
    %dma_start3A_124 = tpu.memref_slice %arg6[%dma_start3A_123] : memref<81920xf32, #tpu.memory_space<vmem>> -> memref<10240xf32, #tpu.memory_space<vmem>>
    %dma_start3A_125 = tpu.memref_slice %arg2[%mul3A_119] : memref<1310720xf32, #tpu.memory_space<hbm>> -> memref<10240xf32, #tpu.memory_space<hbm>>
    tpu.enqueue_dma source(%dma_start3A_125 : memref<10240xf32, #tpu.memory_space<hbm>>) target(%dma_start3A_124 : memref<10240xf32, #tpu.memory_space<vmem>>) target_semaphore(%arg17 : memref<!tpu.dma_semaphore, #tpu.memory_space<semaphore_mem>>)
    %lt3A_126 = arith.constant 25 : i32
    %lt3A_127 = arith.cmpi slt, %add3A, %lt3A_126 : i32
    %mul3A_128 = arith.constant 160000 : i32
    %mul3A_129 = arith.muli %select_n3A_30, %mul3A_128 : i32
    %add3A_130 = arith.constant 0 : i32
    %add3A_131 = arith.addi %mul3A_129, %add3A_130 : i32
    %dma_start3A_132 = tpu.memref_slice %arg3[%add3A_131] : memref<320000xi32, #tpu.memory_space<hbm>> -> memref<1280xi32, #tpu.memory_space<hbm>>
    %dma_start3A_133 = tpu.memref_slice %arg3[%add3A_131] : memref<320000xi32, #tpu.memory_space<hbm>> -> memref<1280xi32, #tpu.memory_space<hbm>>
    tpu.enqueue_dma source(%dma_start3A_133 : memref<1280xi32, #tpu.memory_space<hbm>>) target(%arg7 : memref<1280xi32, #tpu.memory_space<vmem>>) target_semaphore(%arg15 : memref<!tpu.dma_semaphore, #tpu.memory_space<semaphore_mem>>)
    %dma_wait3A = arith.constant 0 : i32
    %dma_wait3A_134 = tpu.memref_slice %arg6[%dma_wait3A] : memref<81920xf32, #tpu.memory_space<vmem>> -> memref<10240xf32, #tpu.memory_space<vmem>>
    %dma_wait3A_135 = arith.constant 0 : i32
    %dma_wait3A_136 = tpu.memref_slice %arg2[%dma_wait3A_135] : memref<1310720xf32, #tpu.memory_space<hbm>> -> memref<10240xf32, #tpu.memory_space<hbm>>
    %dma_wait3A_137 = arith.constant 0 : i32
    %dma_wait3A_138 = tpu.memref_slice %arg6[%dma_wait3A_137] : memref<81920xf32, #tpu.memory_space<vmem>> -> memref<10240xf32, #tpu.memory_space<vmem>>
    %dma_wait3A_139 = arith.constant 0 : i32
    %dma_wait3A_140 = tpu.memref_slice %arg2[%dma_wait3A_139] : memref<1310720xf32, #tpu.memory_space<hbm>> -> memref<10240xf32, #tpu.memory_space<hbm>>
    tpu.wait_dma2 semaphore(%arg17 : memref<!tpu.dma_semaphore, #tpu.memory_space<semaphore_mem>>) src(%dma_wait3A_140 : memref<10240xf32, #tpu.memory_space<hbm>>) dst(%dma_wait3A_138 : memref<10240xf32, #tpu.memory_space<vmem>>)
    %dma_wait3A_141 = arith.constant 10240 : i32
    %dma_wait3A_142 = tpu.memref_slice %arg6[%dma_wait3A_141] : memref<81920xf32, #tpu.memory_space<vmem>> -> memref<10240xf32, #tpu.memory_space<vmem>>
    %dma_wait3A_143 = arith.constant 0 : i32
    %dma_wait3A_144 = tpu.memref_slice %arg2[%dma_wait3A_143] : memref<1310720xf32, #tpu.memory_space<hbm>> -> memref<10240xf32, #tpu.memory_space<hbm>>
    %dma_wait3A_145 = arith.constant 10240 : i32
    %dma_wait3A_146 = tpu.memref_slice %arg6[%dma_wait3A_145] : memref<81920xf32, #tpu.memory_space<vmem>> -> memref<10240xf32, #tpu.memory_space<vmem>>
    %dma_wait3A_147 = arith.constant 0 : i32
    %dma_wait3A_148 = tpu.memref_slice %arg2[%dma_wait3A_147] : memref<1310720xf32, #tpu.memory_space<hbm>> -> memref<10240xf32, #tpu.memory_space<hbm>>
    tpu.wait_dma2 semaphore(%arg17 : memref<!tpu.dma_semaphore, #tpu.memory_space<semaphore_mem>>) src(%dma_wait3A_148 : memref<10240xf32, #tpu.memory_space<hbm>>) dst(%dma_wait3A_146 : memref<10240xf32, #tpu.memory_space<vmem>>)
    %dma_wait3A_149 = arith.constant 20480 : i32
    %dma_wait3A_150 = tpu.memref_slice %arg6[%dma_wait3A_149] : memref<81920xf32, #tpu.memory_space<vmem>> -> memref<10240xf32, #tpu.memory_space<vmem>>
    %dma_wait3A_151 = arith.constant 0 : i32
    %dma_wait3A_152 = tpu.memref_slice %arg2[%dma_wait3A_151] : memref<1310720xf32, #tpu.memory_space<hbm>> -> memref<10240xf32, #tpu.memory_space<hbm>>
    %dma_wait3A_153 = arith.constant 20480 : i32
    %dma_wait3A_154 = tpu.memref_slice %arg6[%dma_wait3A_153] : memref<81920xf32, #tpu.memory_space<vmem>> -> memref<10240xf32, #tpu.memory_space<vmem>>
    %dma_wait3A_155 = arith.constant 0 : i32
    %dma_wait3A_156 = tpu.memref_slice %arg2[%dma_wait3A_155] : memref<1310720xf32, #tpu.memory_space<hbm>> -> memref<10240xf32, #tpu.memory_space<hbm>>
    tpu.wait_dma2 semaphore(%arg17 : memref<!tpu.dma_semaphore, #tpu.memory_space<semaphore_mem>>) src(%dma_wait3A_156 : memref<10240xf32, #tpu.memory_space<hbm>>) dst(%dma_wait3A_154 : memref<10240xf32, #tpu.memory_space<vmem>>)
    %dma_wait3A_157 = arith.constant 30720 : i32
    %dma_wait3A_158 = tpu.memref_slice %arg6[%dma_wait3A_157] : memref<81920xf32, #tpu.memory_space<vmem>> -> memref<10240xf32, #tpu.memory_space<vmem>>
    %dma_wait3A_159 = arith.constant 0 : i32
    %dma_wait3A_160 = tpu.memref_slice %arg2[%dma_wait3A_159] : memref<1310720xf32, #tpu.memory_space<hbm>> -> memref<10240xf32, #tpu.memory_space<hbm>>
    %dma_wait3A_161 = arith.constant 30720 : i32
    %dma_wait3A_162 = tpu.memref_slice %arg6[%dma_wait3A_161] : memref<81920xf32, #tpu.memory_space<vmem>> -> memref<10240xf32, #tpu.memory_space<vmem>>
    %dma_wait3A_163 = arith.constant 0 : i32
    %dma_wait3A_164 = tpu.memref_slice %arg2[%dma_wait3A_163] : memref<1310720xf32, #tpu.memory_space<hbm>> -> memref<10240xf32, #tpu.memory_space<hbm>>
    tpu.wait_dma2 semaphore(%arg17 : memref<!tpu.dma_semaphore, #tpu.memory_space<semaphore_mem>>) src(%dma_wait3A_164 : memref<10240xf32, #tpu.memory_space<hbm>>) dst(%dma_wait3A_162 : memref<10240xf32, #tpu.memory_space<vmem>>)
    %dma_wait3A_165 = arith.constant 40960 : i32
    %dma_wait3A_166 = tpu.memref_slice %arg6[%dma_wait3A_165] : memref<81920xf32, #tpu.memory_space<vmem>> -> memref<10240xf32, #tpu.memory_space<vmem>>
    %dma_wait3A_167 = arith.constant 0 : i32
    %dma_wait3A_168 = tpu.memref_slice %arg2[%dma_wait3A_167] : memref<1310720xf32, #tpu.memory_space<hbm>> -> memref<10240xf32, #tpu.memory_space<hbm>>
    %dma_wait3A_169 = arith.constant 40960 : i32
    %dma_wait3A_170 = tpu.memref_slice %arg6[%dma_wait3A_169] : memref<81920xf32, #tpu.memory_space<vmem>> -> memref<10240xf32, #tpu.memory_space<vmem>>
    %dma_wait3A_171 = arith.constant 0 : i32
    %dma_wait3A_172 = tpu.memref_slice %arg2[%dma_wait3A_171] : memref<1310720xf32, #tpu.memory_space<hbm>> -> memref<10240xf32, #tpu.memory_space<hbm>>
    tpu.wait_dma2 semaphore(%arg17 : memref<!tpu.dma_semaphore, #tpu.memory_space<semaphore_mem>>) src(%dma_wait3A_172 : memref<10240xf32, #tpu.memory_space<hbm>>) dst(%dma_wait3A_170 : memref<10240xf32, #tpu.memory_space<vmem>>)
    %dma_wait3A_173 = arith.constant 51200 : i32
    %dma_wait3A_174 = tpu.memref_slice %arg6[%dma_wait3A_173] : memref<81920xf32, #tpu.memory_space<vmem>> -> memref<10240xf32, #tpu.memory_space<vmem>>
    %dma_wait3A_175 = arith.constant 0 : i32
    %dma_wait3A_176 = tpu.memref_slice %arg2[%dma_wait3A_175] : memref<1310720xf32, #tpu.memory_space<hbm>> -> memref<10240xf32, #tpu.memory_space<hbm>>
    %dma_wait3A_177 = arith.constant 51200 : i32
    %dma_wait3A_178 = tpu.memref_slice %arg6[%dma_wait3A_177] : memref<81920xf32, #tpu.memory_space<vmem>> -> memref<10240xf32, #tpu.memory_space<vmem>>
    %dma_wait3A_179 = arith.constant 0 : i32
    %dma_wait3A_180 = tpu.memref_slice %arg2[%dma_wait3A_179] : memref<1310720xf32, #tpu.memory_space<hbm>> -> memref<10240xf32, #tpu.memory_space<hbm>>
    tpu.wait_dma2 semaphore(%arg17 : memref<!tpu.dma_semaphore, #tpu.memory_space<semaphore_mem>>) src(%dma_wait3A_180 : memref<10240xf32, #tpu.memory_space<hbm>>) dst(%dma_wait3A_178 : memref<10240xf32, #tpu.memory_space<vmem>>)
    %dma_wait3A_181 = arith.constant 61440 : i32
    %dma_wait3A_182 = tpu.memref_slice %arg6[%dma_wait3A_181] : memref<81920xf32, #tpu.memory_space<vmem>> -> memref<10240xf32, #tpu.memory_space<vmem>>
    %dma_wait3A_183 = arith.constant 0 : i32
    %dma_wait3A_184 = tpu.memref_slice %arg2[%dma_wait3A_183] : memref<1310720xf32, #tpu.memory_space<hbm>> -> memref<10240xf32, #tpu.memory_space<hbm>>
    %dma_wait3A_185 = arith.constant 61440 : i32
    %dma_wait3A_186 = tpu.memref_slice %arg6[%dma_wait3A_185] : memref<81920xf32, #tpu.memory_space<vmem>> -> memref<10240xf32, #tpu.memory_space<vmem>>
    %dma_wait3A_187 = arith.constant 0 : i32
    %dma_wait3A_188 = tpu.memref_slice %arg2[%dma_wait3A_187] : memref<1310720xf32, #tpu.memory_space<hbm>> -> memref<10240xf32, #tpu.memory_space<hbm>>
    tpu.wait_dma2 semaphore(%arg17 : memref<!tpu.dma_semaphore, #tpu.memory_space<semaphore_mem>>) src(%dma_wait3A_188 : memref<10240xf32, #tpu.memory_space<hbm>>) dst(%dma_wait3A_186 : memref<10240xf32, #tpu.memory_space<vmem>>)
    %dma_wait3A_189 = arith.constant 71680 : i32
    %dma_wait3A_190 = tpu.memref_slice %arg6[%dma_wait3A_189] : memref<81920xf32, #tpu.memory_space<vmem>> -> memref<10240xf32, #tpu.memory_space<vmem>>
    %dma_wait3A_191 = arith.constant 0 : i32
    %dma_wait3A_192 = tpu.memref_slice %arg2[%dma_wait3A_191] : memref<1310720xf32, #tpu.memory_space<hbm>> -> memref<10240xf32, #tpu.memory_space<hbm>>
    %dma_wait3A_193 = arith.constant 71680 : i32
    %dma_wait3A_194 = tpu.memref_slice %arg6[%dma_wait3A_193] : memref<81920xf32, #tpu.memory_space<vmem>> -> memref<10240xf32, #tpu.memory_space<vmem>>
    %dma_wait3A_195 = arith.constant 0 : i32
    %dma_wait3A_196 = tpu.memref_slice %arg2[%dma_wait3A_195] : memref<1310720xf32, #tpu.memory_space<hbm>> -> memref<10240xf32, #tpu.memory_space<hbm>>
    tpu.wait_dma2 semaphore(%arg17 : memref<!tpu.dma_semaphore, #tpu.memory_space<semaphore_mem>>) src(%dma_wait3A_196 : memref<10240xf32, #tpu.memory_space<hbm>>) dst(%dma_wait3A_194 : memref<10240xf32, #tpu.memory_space<vmem>>)
    %scan3A = arith.constant 0 : i32
    %scan3A_197 = arith.constant 0 : i32
    %scan3A_198 = arith.constant 62 : i32
    %scan3A_199 = arith.addi %scan3A_197, %scan3A_198 : i32
    %scan3A_200 = arith.constant 1 : i32
    scf.for %scan3A_234 = %scan3A_197 to %scan3A_199 step %scan3A_200  : i32 {
      %mul3A_235 = arith.constant 2 : i32
      %mul3A_236 = arith.muli %mul3A_235, %scan3A_234 : i32
      %add3A_237 = arith.constant 1 : i32
      %add3A_238 = arith.addi %mul3A_236, %add3A_237 : i32
      %mul3A_239 = arith.constant 160000 : i32
      %mul3A_240 = arith.muli %select_n3A_30, %mul3A_239 : i32
      %mul3A_241 = arith.constant 1280 : i32
      %mul3A_242 = arith.muli %add3A_238, %mul3A_241 : i32
      %add3A_243 = arith.addi %mul3A_240, %mul3A_242 : i32
      %dma_start3A_244 = tpu.memref_slice %arg3[%add3A_243] : memref<320000xi32, #tpu.memory_space<hbm>> -> memref<1280xi32, #tpu.memory_space<hbm>>
      %dma_start3A_245 = tpu.memref_slice %arg3[%add3A_243] : memref<320000xi32, #tpu.memory_space<hbm>> -> memref<1280xi32, #tpu.memory_space<hbm>>
      tpu.enqueue_dma source(%dma_start3A_245 : memref<1280xi32, #tpu.memory_space<hbm>>) target(%arg8 : memref<1280xi32, #tpu.memory_space<vmem>>) target_semaphore(%arg16 : memref<!tpu.dma_semaphore, #tpu.memory_space<semaphore_mem>>)
      %gt3A = arith.constant 0 : i32
      %gt3A_246 = arith.cmpi sgt, %scan3A_234, %gt3A : i32
      %and3A_247 = arith.andi %lt3A_127, %gt3A_246 : i1
      %le3A = arith.constant 10 : i32
      %le3A_248 = arith.cmpi sle, %scan3A_234, %le3A : i32
      %and3A_249 = arith.andi %and3A_247, %le3A_248 : i1
      %convert_element_type3A = arith.extui %and3A_249 : i1 to i32
      %cond3A = arith.constant 0 : i32
      %cond3A_250 = arith.cmpi ne, %convert_element_type3A, %cond3A : i32
      scf.if %cond3A_250 {
        %dma_wait3A_316 = arith.constant 0 : i32
        %dma_wait3A_317 = arith.constant 0 : i32
        %dma_wait3A_318 = tpu.memref_slice %arg4[%dma_wait3A_316, %dma_wait3A_317] : memref<16x320000xf32, #tpu.memory_space<hbm>> -> memref<8x640xf32, #tpu.memory_space<hbm>>
        %dma_wait3A_319 = arith.constant 0 : i32
        %dma_wait3A_320 = arith.constant 0 : i32
        %dma_wait3A_321 = tpu.memref_slice %arg4[%dma_wait3A_319, %dma_wait3A_320] : memref<16x320000xf32, #tpu.memory_space<hbm>> -> memref<8x640xf32, #tpu.memory_space<hbm>>
        tpu.wait_dma2 semaphore(%arg20 : memref<!tpu.dma_semaphore, #tpu.memory_space<semaphore_mem>>) src(%dma_wait3A_321 : memref<8x640xf32, #tpu.memory_space<hbm>>) dst(%arg11 : memref<8x640xf32, #tpu.memory_space<vmem>>)
        %dma_wait3A_322 = arith.constant 0 : i32
        %dma_wait3A_323 = arith.constant 0 : i32
        %dma_wait3A_324 = tpu.memref_slice %arg4[%dma_wait3A_322, %dma_wait3A_323] : memref<16x320000xf32, #tpu.memory_space<hbm>> -> memref<8x640xf32, #tpu.memory_space<hbm>>
        %dma_wait3A_325 = arith.constant 0 : i32
        %dma_wait3A_326 = arith.constant 0 : i32
        %dma_wait3A_327 = tpu.memref_slice %arg4[%dma_wait3A_325, %dma_wait3A_326] : memref<16x320000xf32, #tpu.memory_space<hbm>> -> memref<8x640xf32, #tpu.memory_space<hbm>>
        tpu.wait_dma2 semaphore(%arg20 : memref<!tpu.dma_semaphore, #tpu.memory_space<semaphore_mem>>) src(%dma_wait3A_327 : memref<8x640xf32, #tpu.memory_space<hbm>>) dst(%arg12 : memref<8x640xf32, #tpu.memory_space<vmem>>)
        %dma_wait3A_328 = arith.constant 0 : i32
        %dma_wait3A_329 = arith.constant 0 : i32
        %dma_wait3A_330 = tpu.memref_slice %arg4[%dma_wait3A_328, %dma_wait3A_329] : memref<16x320000xf32, #tpu.memory_space<hbm>> -> memref<8x640xf32, #tpu.memory_space<hbm>>
        %dma_wait3A_331 = arith.constant 0 : i32
        %dma_wait3A_332 = arith.constant 0 : i32
        %dma_wait3A_333 = tpu.memref_slice %arg4[%dma_wait3A_331, %dma_wait3A_332] : memref<16x320000xf32, #tpu.memory_space<hbm>> -> memref<8x640xf32, #tpu.memory_space<hbm>>
        tpu.wait_dma2 semaphore(%arg20 : memref<!tpu.dma_semaphore, #tpu.memory_space<semaphore_mem>>) src(%dma_wait3A_333 : memref<8x640xf32, #tpu.memory_space<hbm>>) dst(%arg13 : memref<8x640xf32, #tpu.memory_space<vmem>>)
        %dma_wait3A_334 = arith.constant 0 : i32
        %dma_wait3A_335 = arith.constant 0 : i32
        %dma_wait3A_336 = tpu.memref_slice %arg4[%dma_wait3A_334, %dma_wait3A_335] : memref<16x320000xf32, #tpu.memory_space<hbm>> -> memref<8x640xf32, #tpu.memory_space<hbm>>
        %dma_wait3A_337 = arith.constant 0 : i32
        %dma_wait3A_338 = arith.constant 0 : i32
        %dma_wait3A_339 = tpu.memref_slice %arg4[%dma_wait3A_337, %dma_wait3A_338] : memref<16x320000xf32, #tpu.memory_space<hbm>> -> memref<8x640xf32, #tpu.memory_space<hbm>>
        tpu.wait_dma2 semaphore(%arg20 : memref<!tpu.dma_semaphore, #tpu.memory_space<semaphore_mem>>) src(%dma_wait3A_339 : memref<8x640xf32, #tpu.memory_space<hbm>>) dst(%arg14 : memref<8x640xf32, #tpu.memory_space<vmem>>)
      } else {
      }
      %lt3A_251 = arith.constant 10 : i32
      %lt3A_252 = arith.cmpi slt, %scan3A_234, %lt3A_251 : i32
      %and3A_253 = arith.andi %lt3A_127, %lt3A_252 : i1
      %convert_element_type3A_254 = arith.extui %and3A_253 : i1 to i32
      %cond3A_255 = arith.constant 0 : i32
      %cond3A_256 = arith.cmpi ne, %convert_element_type3A_254, %cond3A_255 : i32
      scf.if %cond3A_256 {
        %mul3A_316 = arith.constant 12800 : i32
        %mul3A_317 = arith.muli %add3A, %mul3A_316 : i32
        %mul3A_318 = arith.constant 2 : i32
        %mul3A_319 = arith.muli %scan3A_234, %mul3A_318 : i32
        %mul3A_320 = arith.constant 640 : i32
        %mul3A_321 = arith.muli %mul3A_319, %mul3A_320 : i32
        %add3A_322 = arith.addi %mul3A_317, %mul3A_321 : i32
        %dma_start3A_323 = arith.constant 0 : i32
        %dma_start3A_324 = tpu.memref_slice %arg4[%dma_start3A_323, %add3A_322] : memref<16x320000xf32, #tpu.memory_space<hbm>> -> memref<8x640xf32, #tpu.memory_space<hbm>>
        %dma_start3A_325 = arith.constant 0 : i32
        %dma_start3A_326 = tpu.memref_slice %arg4[%dma_start3A_325, %add3A_322] : memref<16x320000xf32, #tpu.memory_space<hbm>> -> memref<8x640xf32, #tpu.memory_space<hbm>>
        tpu.enqueue_dma source(%dma_start3A_326 : memref<8x640xf32, #tpu.memory_space<hbm>>) target(%arg11 : memref<8x640xf32, #tpu.memory_space<vmem>>) target_semaphore(%arg19 : memref<!tpu.dma_semaphore, #tpu.memory_space<semaphore_mem>>)
        %dma_start3A_327 = arith.constant 8 : i32
        %dma_start3A_328 = tpu.memref_slice %arg4[%dma_start3A_327, %add3A_322] : memref<16x320000xf32, #tpu.memory_space<hbm>> -> memref<8x640xf32, #tpu.memory_space<hbm>>
        %dma_start3A_329 = arith.constant 8 : i32
        %dma_start3A_330 = tpu.memref_slice %arg4[%dma_start3A_329, %add3A_322] : memref<16x320000xf32, #tpu.memory_space<hbm>> -> memref<8x640xf32, #tpu.memory_space<hbm>>
        tpu.enqueue_dma source(%dma_start3A_330 : memref<8x640xf32, #tpu.memory_space<hbm>>) target(%arg12 : memref<8x640xf32, #tpu.memory_space<vmem>>) target_semaphore(%arg19 : memref<!tpu.dma_semaphore, #tpu.memory_space<semaphore_mem>>)
        %add3A_331 = arith.constant 640 : i32
        %add3A_332 = arith.addi %add3A_322, %add3A_331 : i32
        %dma_start3A_333 = arith.constant 0 : i32
        %dma_start3A_334 = tpu.memref_slice %arg4[%dma_start3A_333, %add3A_332] : memref<16x320000xf32, #tpu.memory_space<hbm>> -> memref<8x640xf32, #tpu.memory_space<hbm>>
        %dma_start3A_335 = arith.constant 0 : i32
        %dma_start3A_336 = tpu.memref_slice %arg4[%dma_start3A_335, %add3A_332] : memref<16x320000xf32, #tpu.memory_space<hbm>> -> memref<8x640xf32, #tpu.memory_space<hbm>>
        tpu.enqueue_dma source(%dma_start3A_336 : memref<8x640xf32, #tpu.memory_space<hbm>>) target(%arg13 : memref<8x640xf32, #tpu.memory_space<vmem>>) target_semaphore(%arg19 : memref<!tpu.dma_semaphore, #tpu.memory_space<semaphore_mem>>)
        %dma_start3A_337 = arith.constant 8 : i32
        %dma_start3A_338 = tpu.memref_slice %arg4[%dma_start3A_337, %add3A_332] : memref<16x320000xf32, #tpu.memory_space<hbm>> -> memref<8x640xf32, #tpu.memory_space<hbm>>
        %dma_start3A_339 = arith.constant 8 : i32
        %dma_start3A_340 = tpu.memref_slice %arg4[%dma_start3A_339, %add3A_332] : memref<16x320000xf32, #tpu.memory_space<hbm>> -> memref<8x640xf32, #tpu.memory_space<hbm>>
        tpu.enqueue_dma source(%dma_start3A_340 : memref<8x640xf32, #tpu.memory_space<hbm>>) target(%arg14 : memref<8x640xf32, #tpu.memory_space<vmem>>) target_semaphore(%arg19 : memref<!tpu.dma_semaphore, #tpu.memory_space<semaphore_mem>>)
      } else {
      }
      %dma_wait3A_257 = arith.constant 0 : i32
      %dma_wait3A_258 = tpu.memref_slice %arg3[%dma_wait3A_257] : memref<320000xi32, #tpu.memory_space<hbm>> -> memref<1280xi32, #tpu.memory_space<hbm>>
      %dma_wait3A_259 = arith.constant 0 : i32
      %dma_wait3A_260 = tpu.memref_slice %arg3[%dma_wait3A_259] : memref<320000xi32, #tpu.memory_space<hbm>> -> memref<1280xi32, #tpu.memory_space<hbm>>
      tpu.wait_dma2 semaphore(%arg15 : memref<!tpu.dma_semaphore, #tpu.memory_space<semaphore_mem>>) src(%dma_wait3A_260 : memref<1280xi32, #tpu.memory_space<hbm>>) dst(%arg7 : memref<1280xi32, #tpu.memory_space<vmem>>)
      %gt3A_261 = arith.constant 0 : i32
      %gt3A_262 = arith.cmpi sgt, %scan3A_234, %gt3A_261 : i32
      %convert_element_type3A_263 = arith.extui %gt3A_262 : i1 to i32
      %cond3A_264 = arith.constant 0 : i32
      %cond3A_265 = arith.cmpi ne, %convert_element_type3A_263, %cond3A_264 : i32
      scf.if %cond3A_265 {
        %dma_wait3A_316 = arith.constant 0 : i32
        %dma_wait3A_317 = arith.constant 0 : i32
        %dma_wait3A_318 = tpu.memref_slice %arg5[%dma_wait3A_316, %dma_wait3A_317] : memref<144x320000xf32, #tpu.memory_space<hbm>> -> memref<8x1280xf32, #tpu.memory_space<hbm>>
        %dma_wait3A_319 = arith.constant 0 : i32
        %dma_wait3A_320 = arith.constant 0 : i32
        %dma_wait3A_321 = tpu.memref_slice %arg5[%dma_wait3A_319, %dma_wait3A_320] : memref<144x320000xf32, #tpu.memory_space<hbm>> -> memref<8x1280xf32, #tpu.memory_space<hbm>>
        tpu.wait_dma2 semaphore(%arg17 : memref<!tpu.dma_semaphore, #tpu.memory_space<semaphore_mem>>) src(%dma_wait3A_321 : memref<8x1280xf32, #tpu.memory_space<hbm>>) dst(%arg9 : memref<8x1280xf32, #tpu.memory_space<vmem>>)
      } else {
      }
      %parallel_loop3A_266 = arith.constant 0 : i32
      %parallel_loop3A_267 = arith.constant 80 : i32
      %parallel_loop3A_268 = arith.constant 1 : i32
      scf.for %parallel_loop3A_316 = %parallel_loop3A_266 to %parallel_loop3A_267 step %parallel_loop3A_268  : i32 {
        %parallel_loop3A_317 = arith.constant 16 : i32
        %parallel_loop3A_318 = arith.muli %parallel_loop3A_316, %parallel_loop3A_317 : i32
        %parallel_loop3A_319 = arith.index_cast %parallel_loop3A_318 : i32 to index
        %parallel_loop3A_320 = tpu.vector_load %arg7[%parallel_loop3A_319] {strides = array<i32>} : memref<1280xi32, #tpu.memory_space<vmem>>, vector<16xi32>,
        %parallel_loop3A_321 = arith.constant 0 : i32
        %parallel_loop3A_322 = vector.broadcast %parallel_loop3A_321 : i32 to vector<16xi32>
        %parallel_loop3A_323 = arith.addi %parallel_loop3A_320, %parallel_loop3A_322 : vector<16xi32>
        %parallel_loop3A_324 = tpu.vector_load_idx %arg6[%parallel_loop3A_323] : memref<81920xf32, #tpu.memory_space<vmem>>[vector<16xi32>], vector<16xf32>,
        %parallel_loop3A_325 = arith.constant 16 : i32
        %parallel_loop3A_326 = arith.muli %parallel_loop3A_316, %parallel_loop3A_325 : i32
        %parallel_loop3A_327 = arith.constant 0 : i32
        %parallel_loop3A_328 = arith.index_cast %parallel_loop3A_327 : i32 to index
        %parallel_loop3A_329 = arith.index_cast %parallel_loop3A_326 : i32 to index
        %parallel_loop3A_330 = tpu.vector_load %arg9[%parallel_loop3A_328, %parallel_loop3A_329] {strides = array<i32>} : memref<8x1280xf32, #tpu.memory_space<vmem>>, vector<16xf32>,
        tpu.vector_store %arg9[%parallel_loop3A_328, %parallel_loop3A_329], %parallel_loop3A_324 {strides = array<i32>} : memref<8x1280xf32, #tpu.memory_space<vmem>>, vector<16xf32>,
        %parallel_loop3A_331 = arith.constant 10240 : i32
        %parallel_loop3A_332 = vector.broadcast %parallel_loop3A_331 : i32 to vector<16xi32>
        %parallel_loop3A_333 = arith.addi %parallel_loop3A_320, %parallel_loop3A_332 : vector<16xi32>
        %parallel_loop3A_334 = tpu.vector_load_idx %arg6[%parallel_loop3A_333] : memref<81920xf32, #tpu.memory_space<vmem>>[vector<16xi32>], vector<16xf32>,
        %parallel_loop3A_335 = arith.constant 16 : i32
        %parallel_loop3A_336 = arith.muli %parallel_loop3A_316, %parallel_loop3A_335 : i32
        %parallel_loop3A_337 = arith.constant 1 : i32
        %parallel_loop3A_338 = arith.index_cast %parallel_loop3A_337 : i32 to index
        %parallel_loop3A_339 = arith.index_cast %parallel_loop3A_336 : i32 to index
        %parallel_loop3A_340 = tpu.vector_load %arg9[%parallel_loop3A_338, %parallel_loop3A_339] {strides = array<i32>} : memref<8x1280xf32, #tpu.memory_space<vmem>>, vector<16xf32>,
        tpu.vector_store %arg9[%parallel_loop3A_338, %parallel_loop3A_339], %parallel_loop3A_334 {strides = array<i32>} : memref<8x1280xf32, #tpu.memory_space<vmem>>, vector<16xf32>,
        %parallel_loop3A_341 = arith.constant 20480 : i32
        %parallel_loop3A_342 = vector.broadcast %parallel_loop3A_341 : i32 to vector<16xi32>
        %parallel_loop3A_343 = arith.addi %parallel_loop3A_320, %parallel_loop3A_342 : vector<16xi32>
        %parallel_loop3A_344 = tpu.vector_load_idx %arg6[%parallel_loop3A_343] : memref<81920xf32, #tpu.memory_space<vmem>>[vector<16xi32>], vector<16xf32>,
        %parallel_loop3A_345 = arith.constant 16 : i32
        %parallel_loop3A_346 = arith.muli %parallel_loop3A_316, %parallel_loop3A_345 : i32
        %parallel_loop3A_347 = arith.constant 2 : i32
        %parallel_loop3A_348 = arith.index_cast %parallel_loop3A_347 : i32 to index
        %parallel_loop3A_349 = arith.index_cast %parallel_loop3A_346 : i32 to index
        %parallel_loop3A_350 = tpu.vector_load %arg9[%parallel_loop3A_348, %parallel_loop3A_349] {strides = array<i32>} : memref<8x1280xf32, #tpu.memory_space<vmem>>, vector<16xf32>,
        tpu.vector_store %arg9[%parallel_loop3A_348, %parallel_loop3A_349], %parallel_loop3A_344 {strides = array<i32>} : memref<8x1280xf32, #tpu.memory_space<vmem>>, vector<16xf32>,
        %parallel_loop3A_351 = arith.constant 30720 : i32
        %parallel_loop3A_352 = vector.broadcast %parallel_loop3A_351 : i32 to vector<16xi32>
        %parallel_loop3A_353 = arith.addi %parallel_loop3A_320, %parallel_loop3A_352 : vector<16xi32>
        %parallel_loop3A_354 = tpu.vector_load_idx %arg6[%parallel_loop3A_353] : memref<81920xf32, #tpu.memory_space<vmem>>[vector<16xi32>], vector<16xf32>,
        %parallel_loop3A_355 = arith.constant 16 : i32
        %parallel_loop3A_356 = arith.muli %parallel_loop3A_316, %parallel_loop3A_355 : i32
        %parallel_loop3A_357 = arith.constant 3 : i32
        %parallel_loop3A_358 = arith.index_cast %parallel_loop3A_357 : i32 to index
        %parallel_loop3A_359 = arith.index_cast %parallel_loop3A_356 : i32 to index
        %parallel_loop3A_360 = tpu.vector_load %arg9[%parallel_loop3A_358, %parallel_loop3A_359] {strides = array<i32>} : memref<8x1280xf32, #tpu.memory_space<vmem>>, vector<16xf32>,
        tpu.vector_store %arg9[%parallel_loop3A_358, %parallel_loop3A_359], %parallel_loop3A_354 {strides = array<i32>} : memref<8x1280xf32, #tpu.memory_space<vmem>>, vector<16xf32>,
        %parallel_loop3A_361 = arith.constant 40960 : i32
        %parallel_loop3A_362 = vector.broadcast %parallel_loop3A_361 : i32 to vector<16xi32>
        %parallel_loop3A_363 = arith.addi %parallel_loop3A_320, %parallel_loop3A_362 : vector<16xi32>
        %parallel_loop3A_364 = tpu.vector_load_idx %arg6[%parallel_loop3A_363] : memref<81920xf32, #tpu.memory_space<vmem>>[vector<16xi32>], vector<16xf32>,
        %parallel_loop3A_365 = arith.constant 16 : i32
        %parallel_loop3A_366 = arith.muli %parallel_loop3A_316, %parallel_loop3A_365 : i32
        %parallel_loop3A_367 = arith.constant 4 : i32
        %parallel_loop3A_368 = arith.index_cast %parallel_loop3A_367 : i32 to index
        %parallel_loop3A_369 = arith.index_cast %parallel_loop3A_366 : i32 to index
        %parallel_loop3A_370 = tpu.vector_load %arg9[%parallel_loop3A_368, %parallel_loop3A_369] {strides = array<i32>} : memref<8x1280xf32, #tpu.memory_space<vmem>>, vector<16xf32>,
        tpu.vector_store %arg9[%parallel_loop3A_368, %parallel_loop3A_369], %parallel_loop3A_364 {strides = array<i32>} : memref<8x1280xf32, #tpu.memory_space<vmem>>, vector<16xf32>,
        %parallel_loop3A_371 = arith.constant 51200 : i32
        %parallel_loop3A_372 = vector.broadcast %parallel_loop3A_371 : i32 to vector<16xi32>
        %parallel_loop3A_373 = arith.addi %parallel_loop3A_320, %parallel_loop3A_372 : vector<16xi32>
        %parallel_loop3A_374 = tpu.vector_load_idx %arg6[%parallel_loop3A_373] : memref<81920xf32, #tpu.memory_space<vmem>>[vector<16xi32>], vector<16xf32>,
        %parallel_loop3A_375 = arith.constant 16 : i32
        %parallel_loop3A_376 = arith.muli %parallel_loop3A_316, %parallel_loop3A_375 : i32
        %parallel_loop3A_377 = arith.constant 5 : i32
        %parallel_loop3A_378 = arith.index_cast %parallel_loop3A_377 : i32 to index
        %parallel_loop3A_379 = arith.index_cast %parallel_loop3A_376 : i32 to index
        %parallel_loop3A_380 = tpu.vector_load %arg9[%parallel_loop3A_378, %parallel_loop3A_379] {strides = array<i32>} : memref<8x1280xf32, #tpu.memory_space<vmem>>, vector<16xf32>,
        tpu.vector_store %arg9[%parallel_loop3A_378, %parallel_loop3A_379], %parallel_loop3A_374 {strides = array<i32>} : memref<8x1280xf32, #tpu.memory_space<vmem>>, vector<16xf32>,
        %parallel_loop3A_381 = arith.constant 61440 : i32
        %parallel_loop3A_382 = vector.broadcast %parallel_loop3A_381 : i32 to vector<16xi32>
        %parallel_loop3A_383 = arith.addi %parallel_loop3A_320, %parallel_loop3A_382 : vector<16xi32>
        %parallel_loop3A_384 = tpu.vector_load_idx %arg6[%parallel_loop3A_383] : memref<81920xf32, #tpu.memory_space<vmem>>[vector<16xi32>], vector<16xf32>,
        %parallel_loop3A_385 = arith.constant 16 : i32
        %parallel_loop3A_386 = arith.muli %parallel_loop3A_316, %parallel_loop3A_385 : i32
        %parallel_loop3A_387 = arith.constant 6 : i32
        %parallel_loop3A_388 = arith.index_cast %parallel_loop3A_387 : i32 to index
        %parallel_loop3A_389 = arith.index_cast %parallel_loop3A_386 : i32 to index
        %parallel_loop3A_390 = tpu.vector_load %arg9[%parallel_loop3A_388, %parallel_loop3A_389] {strides = array<i32>} : memref<8x1280xf32, #tpu.memory_space<vmem>>, vector<16xf32>,
        tpu.vector_store %arg9[%parallel_loop3A_388, %parallel_loop3A_389], %parallel_loop3A_384 {strides = array<i32>} : memref<8x1280xf32, #tpu.memory_space<vmem>>, vector<16xf32>,
        %parallel_loop3A_391 = arith.constant 71680 : i32
        %parallel_loop3A_392 = vector.broadcast %parallel_loop3A_391 : i32 to vector<16xi32>
        %parallel_loop3A_393 = arith.addi %parallel_loop3A_320, %parallel_loop3A_392 : vector<16xi32>
        %parallel_loop3A_394 = tpu.vector_load_idx %arg6[%parallel_loop3A_393] : memref<81920xf32, #tpu.memory_space<vmem>>[vector<16xi32>], vector<16xf32>,
        %parallel_loop3A_395 = arith.constant 16 : i32
        %parallel_loop3A_396 = arith.muli %parallel_loop3A_316, %parallel_loop3A_395 : i32
        %parallel_loop3A_397 = arith.constant 7 : i32
        %parallel_loop3A_398 = arith.index_cast %parallel_loop3A_397 : i32 to index
        %parallel_loop3A_399 = arith.index_cast %parallel_loop3A_396 : i32 to index
        %parallel_loop3A_400 = tpu.vector_load %arg9[%parallel_loop3A_398, %parallel_loop3A_399] {strides = array<i32>} : memref<8x1280xf32, #tpu.memory_space<vmem>>, vector<16xf32>,
        tpu.vector_store %arg9[%parallel_loop3A_398, %parallel_loop3A_399], %parallel_loop3A_394 {strides = array<i32>} : memref<8x1280xf32, #tpu.memory_space<vmem>>, vector<16xf32>,
      } {sc.loop_unroll_factor = 8 : i64, sc.parallel_access}
      %mul3A_269 = arith.constant 8 : i32
      %mul3A_270 = arith.muli %select_n3A_9, %mul3A_269 : i32
      %mul3A_271 = arith.constant 160000 : i32
      %mul3A_272 = arith.muli %select_n3A_30, %mul3A_271 : i32
      %mul3A_273 = arith.constant 1280 : i32
      %mul3A_274 = arith.muli %mul3A_236, %mul3A_273 : i32
      %add3A_275 = arith.addi %mul3A_272, %mul3A_274 : i32
      %dma_start3A_276 = tpu.memref_slice %arg5[%mul3A_270, %add3A_275] : memref<144x320000xf32, #tpu.memory_space<hbm>> -> memref<8x1280xf32, #tpu.memory_space<hbm>>
      %dma_start3A_277 = tpu.memref_slice %arg5[%mul3A_270, %add3A_275] : memref<144x320000xf32, #tpu.memory_space<hbm>> -> memref<8x1280xf32, #tpu.memory_space<hbm>>
      tpu.enqueue_dma source(%arg9 : memref<8x1280xf32, #tpu.memory_space<vmem>>) target(%dma_start3A_277 : memref<8x1280xf32, #tpu.memory_space<hbm>>) target_semaphore(%arg17 : memref<!tpu.dma_semaphore, #tpu.memory_space<semaphore_mem>>)
      %add3A_278 = arith.constant 2 : i32
      %add3A_279 = arith.addi %mul3A_236, %add3A_278 : i32
      %mul3A_280 = arith.constant 160000 : i32
      %mul3A_281 = arith.muli %select_n3A_30, %mul3A_280 : i32
      %mul3A_282 = arith.constant 1280 : i32
      %mul3A_283 = arith.muli %add3A_279, %mul3A_282 : i32
      %add3A_284 = arith.addi %mul3A_281, %mul3A_283 : i32
      %dma_start3A_285 = tpu.memref_slice %arg3[%add3A_284] : memref<320000xi32, #tpu.memory_space<hbm>> -> memref<1280xi32, #tpu.memory_space<hbm>>
      %dma_start3A_286 = tpu.memref_slice %arg3[%add3A_284] : memref<320000xi32, #tpu.memory_space<hbm>> -> memref<1280xi32, #tpu.memory_space<hbm>>
      tpu.enqueue_dma source(%dma_start3A_286 : memref<1280xi32, #tpu.memory_space<hbm>>) target(%arg7 : memref<1280xi32, #tpu.memory_space<vmem>>) target_semaphore(%arg15 : memref<!tpu.dma_semaphore, #tpu.memory_space<semaphore_mem>>)
      %lt3A_287 = arith.constant 10 : i32
      %lt3A_288 = arith.cmpi slt, %scan3A_234, %lt3A_287 : i32
      %and3A_289 = arith.andi %lt3A_127, %lt3A_288 : i1
      %convert_element_type3A_290 = arith.extui %and3A_289 : i1 to i32
      %cond3A_291 = arith.constant 0 : i32
      %cond3A_292 = arith.cmpi ne, %convert_element_type3A_290, %cond3A_291 : i32
      scf.if %cond3A_292 {
        %dma_wait3A_316 = arith.constant 0 : i32
        %dma_wait3A_317 = arith.constant 0 : i32
        %dma_wait3A_318 = tpu.memref_slice %arg4[%dma_wait3A_316, %dma_wait3A_317] : memref<16x320000xf32, #tpu.memory_space<hbm>> -> memref<8x640xf32, #tpu.memory_space<hbm>>
        %dma_wait3A_319 = arith.constant 0 : i32
        %dma_wait3A_320 = arith.constant 0 : i32
        %dma_wait3A_321 = tpu.memref_slice %arg4[%dma_wait3A_319, %dma_wait3A_320] : memref<16x320000xf32, #tpu.memory_space<hbm>> -> memref<8x640xf32, #tpu.memory_space<hbm>>
        tpu.wait_dma2 semaphore(%arg19 : memref<!tpu.dma_semaphore, #tpu.memory_space<semaphore_mem>>) src(%dma_wait3A_321 : memref<8x640xf32, #tpu.memory_space<hbm>>) dst(%arg11 : memref<8x640xf32, #tpu.memory_space<vmem>>)
        %dma_wait3A_322 = arith.constant 0 : i32
        %dma_wait3A_323 = arith.constant 0 : i32
        %dma_wait3A_324 = tpu.memref_slice %arg4[%dma_wait3A_322, %dma_wait3A_323] : memref<16x320000xf32, #tpu.memory_space<hbm>> -> memref<8x640xf32, #tpu.memory_space<hbm>>
        %dma_wait3A_325 = arith.constant 0 : i32
        %dma_wait3A_326 = arith.constant 0 : i32
        %dma_wait3A_327 = tpu.memref_slice %arg4[%dma_wait3A_325, %dma_wait3A_326] : memref<16x320000xf32, #tpu.memory_space<hbm>> -> memref<8x640xf32, #tpu.memory_space<hbm>>
        tpu.wait_dma2 semaphore(%arg19 : memref<!tpu.dma_semaphore, #tpu.memory_space<semaphore_mem>>) src(%dma_wait3A_327 : memref<8x640xf32, #tpu.memory_space<hbm>>) dst(%arg12 : memref<8x640xf32, #tpu.memory_space<vmem>>)
        %dma_wait3A_328 = arith.constant 0 : i32
        %dma_wait3A_329 = arith.constant 0 : i32
        %dma_wait3A_330 = tpu.memref_slice %arg4[%dma_wait3A_328, %dma_wait3A_329] : memref<16x320000xf32, #tpu.memory_space<hbm>> -> memref<8x640xf32, #tpu.memory_space<hbm>>
        %dma_wait3A_331 = arith.constant 0 : i32
        %dma_wait3A_332 = arith.constant 0 : i32
        %dma_wait3A_333 = tpu.memref_slice %arg4[%dma_wait3A_331, %dma_wait3A_332] : memref<16x320000xf32, #tpu.memory_space<hbm>> -> memref<8x640xf32, #tpu.memory_space<hbm>>
        tpu.wait_dma2 semaphore(%arg19 : memref<!tpu.dma_semaphore, #tpu.memory_space<semaphore_mem>>) src(%dma_wait3A_333 : memref<8x640xf32, #tpu.memory_space<hbm>>) dst(%arg13 : memref<8x640xf32, #tpu.memory_space<vmem>>)
        %dma_wait3A_334 = arith.constant 0 : i32
        %dma_wait3A_335 = arith.constant 0 : i32
        %dma_wait3A_336 = tpu.memref_slice %arg4[%dma_wait3A_334, %dma_wait3A_335] : memref<16x320000xf32, #tpu.memory_space<hbm>> -> memref<8x640xf32, #tpu.memory_space<hbm>>
        %dma_wait3A_337 = arith.constant 0 : i32
        %dma_wait3A_338 = arith.constant 0 : i32
        %dma_wait3A_339 = tpu.memref_slice %arg4[%dma_wait3A_337, %dma_wait3A_338] : memref<16x320000xf32, #tpu.memory_space<hbm>> -> memref<8x640xf32, #tpu.memory_space<hbm>>
        tpu.wait_dma2 semaphore(%arg19 : memref<!tpu.dma_semaphore, #tpu.memory_space<semaphore_mem>>) src(%dma_wait3A_339 : memref<8x640xf32, #tpu.memory_space<hbm>>) dst(%arg14 : memref<8x640xf32, #tpu.memory_space<vmem>>)
        %mul3A_340 = arith.constant 12800 : i32
        %mul3A_341 = arith.muli %add3A, %mul3A_340 : i32
        %mul3A_342 = arith.constant 2 : i32
        %mul3A_343 = arith.muli %scan3A_234, %mul3A_342 : i32
        %mul3A_344 = arith.constant 640 : i32
        %mul3A_345 = arith.muli %mul3A_343, %mul3A_344 : i32
        %add3A_346 = arith.addi %mul3A_341, %mul3A_345 : i32
        %dma_start3A_347 = arith.constant 128 : i32
        %dma_start3A_348 = tpu.memref_slice %arg5[%dma_start3A_347, %add3A_346] : memref<144x320000xf32, #tpu.memory_space<hbm>> -> memref<8x640xf32, #tpu.memory_space<hbm>>
        %dma_start3A_349 = arith.constant 128 : i32
        %dma_start3A_350 = tpu.memref_slice %arg5[%dma_start3A_349, %add3A_346] : memref<144x320000xf32, #tpu.memory_space<hbm>> -> memref<8x640xf32, #tpu.memory_space<hbm>>
        tpu.enqueue_dma source(%arg11 : memref<8x640xf32, #tpu.memory_space<vmem>>) target(%dma_start3A_350 : memref<8x640xf32, #tpu.memory_space<hbm>>) target_semaphore(%arg20 : memref<!tpu.dma_semaphore, #tpu.memory_space<semaphore_mem>>)
        %dma_start3A_351 = arith.constant 136 : i32
        %dma_start3A_352 = tpu.memref_slice %arg5[%dma_start3A_351, %add3A_346] : memref<144x320000xf32, #tpu.memory_space<hbm>> -> memref<8x640xf32, #tpu.memory_space<hbm>>
        %dma_start3A_353 = arith.constant 136 : i32
        %dma_start3A_354 = tpu.memref_slice %arg5[%dma_start3A_353, %add3A_346] : memref<144x320000xf32, #tpu.memory_space<hbm>> -> memref<8x640xf32, #tpu.memory_space<hbm>>
        tpu.enqueue_dma source(%arg12 : memref<8x640xf32, #tpu.memory_space<vmem>>) target(%dma_start3A_354 : memref<8x640xf32, #tpu.memory_space<hbm>>) target_semaphore(%arg20 : memref<!tpu.dma_semaphore, #tpu.memory_space<semaphore_mem>>)
        %add3A_355 = arith.constant 640 : i32
        %add3A_356 = arith.addi %add3A_346, %add3A_355 : i32
        %dma_start3A_357 = arith.constant 128 : i32
        %dma_start3A_358 = tpu.memref_slice %arg5[%dma_start3A_357, %add3A_356] : memref<144x320000xf32, #tpu.memory_space<hbm>> -> memref<8x640xf32, #tpu.memory_space<hbm>>
        %dma_start3A_359 = arith.constant 128 : i32
        %dma_start3A_360 = tpu.memref_slice %arg5[%dma_start3A_359, %add3A_356] : memref<144x320000xf32, #tpu.memory_space<hbm>> -> memref<8x640xf32, #tpu.memory_space<hbm>>
        tpu.enqueue_dma source(%arg13 : memref<8x640xf32, #tpu.memory_space<vmem>>) target(%dma_start3A_360 : memref<8x640xf32, #tpu.memory_space<hbm>>) target_semaphore(%arg20 : memref<!tpu.dma_semaphore, #tpu.memory_space<semaphore_mem>>)
        %dma_start3A_361 = arith.constant 136 : i32
        %dma_start3A_362 = tpu.memref_slice %arg5[%dma_start3A_361, %add3A_356] : memref<144x320000xf32, #tpu.memory_space<hbm>> -> memref<8x640xf32, #tpu.memory_space<hbm>>
        %dma_start3A_363 = arith.constant 136 : i32
        %dma_start3A_364 = tpu.memref_slice %arg5[%dma_start3A_363, %add3A_356] : memref<144x320000xf32, #tpu.memory_space<hbm>> -> memref<8x640xf32, #tpu.memory_space<hbm>>
        tpu.enqueue_dma source(%arg14 : memref<8x640xf32, #tpu.memory_space<vmem>>) target(%dma_start3A_364 : memref<8x640xf32, #tpu.memory_space<hbm>>) target_semaphore(%arg20 : memref<!tpu.dma_semaphore, #tpu.memory_space<semaphore_mem>>)
      } else {
      }
      %dma_wait3A_293 = arith.constant 0 : i32
      %dma_wait3A_294 = tpu.memref_slice %arg3[%dma_wait3A_293] : memref<320000xi32, #tpu.memory_space<hbm>> -> memref<1280xi32, #tpu.memory_space<hbm>>
      %dma_wait3A_295 = arith.constant 0 : i32
      %dma_wait3A_296 = tpu.memref_slice %arg3[%dma_wait3A_295] : memref<320000xi32, #tpu.memory_space<hbm>> -> memref<1280xi32, #tpu.memory_space<hbm>>
      tpu.wait_dma2 semaphore(%arg16 : memref<!tpu.dma_semaphore, #tpu.memory_space<semaphore_mem>>) src(%dma_wait3A_296 : memref<1280xi32, #tpu.memory_space<hbm>>) dst(%arg8 : memref<1280xi32, #tpu.memory_space<vmem>>)
      %gt3A_297 = arith.constant 0 : i32
      %gt3A_298 = arith.cmpi sgt, %scan3A_234, %gt3A_297 : i32
      %convert_element_type3A_299 = arith.extui %gt3A_298 : i1 to i32
      %cond3A_300 = arith.constant 0 : i32
      %cond3A_301 = arith.cmpi ne, %convert_element_type3A_299, %cond3A_300 : i32
      scf.if %cond3A_301 {
        %dma_wait3A_316 = arith.constant 0 : i32
        %dma_wait3A_317 = arith.constant 0 : i32
        %dma_wait3A_318 = tpu.memref_slice %arg5[%dma_wait3A_316, %dma_wait3A_317] : memref<144x320000xf32, #tpu.memory_space<hbm>> -> memref<8x1280xf32, #tpu.memory_space<hbm>>
        %dma_wait3A_319 = arith.constant 0 : i32
        %dma_wait3A_320 = arith.constant 0 : i32
        %dma_wait3A_321 = tpu.memref_slice %arg5[%dma_wait3A_319, %dma_wait3A_320] : memref<144x320000xf32, #tpu.memory_space<hbm>> -> memref<8x1280xf32, #tpu.memory_space<hbm>>
        tpu.wait_dma2 semaphore(%arg18 : memref<!tpu.dma_semaphore, #tpu.memory_space<semaphore_mem>>) src(%dma_wait3A_321 : memref<8x1280xf32, #tpu.memory_space<hbm>>) dst(%arg10 : memref<8x1280xf32, #tpu.memory_space<vmem>>)
      } else {
      }
      %parallel_loop3A_302 = arith.constant 0 : i32
      %parallel_loop3A_303 = arith.constant 80 : i32
      %parallel_loop3A_304 = arith.constant 1 : i32
      scf.for %parallel_loop3A_316 = %parallel_loop3A_302 to %parallel_loop3A_303 step %parallel_loop3A_304  : i32 {
        %parallel_loop3A_317 = arith.constant 16 : i32
        %parallel_loop3A_318 = arith.muli %parallel_loop3A_316, %parallel_loop3A_317 : i32
        %parallel_loop3A_319 = arith.index_cast %parallel_loop3A_318 : i32 to index
        %parallel_loop3A_320 = tpu.vector_load %arg8[%parallel_loop3A_319] {strides = array<i32>} : memref<1280xi32, #tpu.memory_space<vmem>>, vector<16xi32>,
        %parallel_loop3A_321 = arith.constant 0 : i32
        %parallel_loop3A_322 = vector.broadcast %parallel_loop3A_321 : i32 to vector<16xi32>
        %parallel_loop3A_323 = arith.addi %parallel_loop3A_320, %parallel_loop3A_322 : vector<16xi32>
        %parallel_loop3A_324 = tpu.vector_load_idx %arg6[%parallel_loop3A_323] : memref<81920xf32, #tpu.memory_space<vmem>>[vector<16xi32>], vector<16xf32>,
        %parallel_loop3A_325 = arith.constant 16 : i32
        %parallel_loop3A_326 = arith.muli %parallel_loop3A_316, %parallel_loop3A_325 : i32
        %parallel_loop3A_327 = arith.constant 0 : i32
        %parallel_loop3A_328 = arith.index_cast %parallel_loop3A_327 : i32 to index
        %parallel_loop3A_329 = arith.index_cast %parallel_loop3A_326 : i32 to index
        %parallel_loop3A_330 = tpu.vector_load %arg10[%parallel_loop3A_328, %parallel_loop3A_329] {strides = array<i32>} : memref<8x1280xf32, #tpu.memory_space<vmem>>, vector<16xf32>,
        tpu.vector_store %arg10[%parallel_loop3A_328, %parallel_loop3A_329], %parallel_loop3A_324 {strides = array<i32>} : memref<8x1280xf32, #tpu.memory_space<vmem>>, vector<16xf32>,
        %parallel_loop3A_331 = arith.constant 10240 : i32
        %parallel_loop3A_332 = vector.broadcast %parallel_loop3A_331 : i32 to vector<16xi32>
        %parallel_loop3A_333 = arith.addi %parallel_loop3A_320, %parallel_loop3A_332 : vector<16xi32>
        %parallel_loop3A_334 = tpu.vector_load_idx %arg6[%parallel_loop3A_333] : memref<81920xf32, #tpu.memory_space<vmem>>[vector<16xi32>], vector<16xf32>,
        %parallel_loop3A_335 = arith.constant 16 : i32
        %parallel_loop3A_336 = arith.muli %parallel_loop3A_316, %parallel_loop3A_335 : i32
        %parallel_loop3A_337 = arith.constant 1 : i32
        %parallel_loop3A_338 = arith.index_cast %parallel_loop3A_337 : i32 to index
        %parallel_loop3A_339 = arith.index_cast %parallel_loop3A_336 : i32 to index
        %parallel_loop3A_340 = tpu.vector_load %arg10[%parallel_loop3A_338, %parallel_loop3A_339] {strides = array<i32>} : memref<8x1280xf32, #tpu.memory_space<vmem>>, vector<16xf32>,
        tpu.vector_store %arg10[%parallel_loop3A_338, %parallel_loop3A_339], %parallel_loop3A_334 {strides = array<i32>} : memref<8x1280xf32, #tpu.memory_space<vmem>>, vector<16xf32>,
        %parallel_loop3A_341 = arith.constant 20480 : i32
        %parallel_loop3A_342 = vector.broadcast %parallel_loop3A_341 : i32 to vector<16xi32>
        %parallel_loop3A_343 = arith.addi %parallel_loop3A_320, %parallel_loop3A_342 : vector<16xi32>
        %parallel_loop3A_344 = tpu.vector_load_idx %arg6[%parallel_loop3A_343] : memref<81920xf32, #tpu.memory_space<vmem>>[vector<16xi32>], vector<16xf32>,
        %parallel_loop3A_345 = arith.constant 16 : i32
        %parallel_loop3A_346 = arith.muli %parallel_loop3A_316, %parallel_loop3A_345 : i32
        %parallel_loop3A_347 = arith.constant 2 : i32
        %parallel_loop3A_348 = arith.index_cast %parallel_loop3A_347 : i32 to index
        %parallel_loop3A_349 = arith.index_cast %parallel_loop3A_346 : i32 to index
        %parallel_loop3A_350 = tpu.vector_load %arg10[%parallel_loop3A_348, %parallel_loop3A_349] {strides = array<i32>} : memref<8x1280xf32, #tpu.memory_space<vmem>>, vector<16xf32>,
        tpu.vector_store %arg10[%parallel_loop3A_348, %parallel_loop3A_349], %parallel_loop3A_344 {strides = array<i32>} : memref<8x1280xf32, #tpu.memory_space<vmem>>, vector<16xf32>,
        %parallel_loop3A_351 = arith.constant 30720 : i32
        %parallel_loop3A_352 = vector.broadcast %parallel_loop3A_351 : i32 to vector<16xi32>
        %parallel_loop3A_353 = arith.addi %parallel_loop3A_320, %parallel_loop3A_352 : vector<16xi32>
        %parallel_loop3A_354 = tpu.vector_load_idx %arg6[%parallel_loop3A_353] : memref<81920xf32, #tpu.memory_space<vmem>>[vector<16xi32>], vector<16xf32>,
        %parallel_loop3A_355 = arith.constant 16 : i32
        %parallel_loop3A_356 = arith.muli %parallel_loop3A_316, %parallel_loop3A_355 : i32
        %parallel_loop3A_357 = arith.constant 3 : i32
        %parallel_loop3A_358 = arith.index_cast %parallel_loop3A_357 : i32 to index
        %parallel_loop3A_359 = arith.index_cast %parallel_loop3A_356 : i32 to index
        %parallel_loop3A_360 = tpu.vector_load %arg10[%parallel_loop3A_358, %parallel_loop3A_359] {strides = array<i32>} : memref<8x1280xf32, #tpu.memory_space<vmem>>, vector<16xf32>,
        tpu.vector_store %arg10[%parallel_loop3A_358, %parallel_loop3A_359], %parallel_loop3A_354 {strides = array<i32>} : memref<8x1280xf32, #tpu.memory_space<vmem>>, vector<16xf32>,
        %parallel_loop3A_361 = arith.constant 40960 : i32
        %parallel_loop3A_362 = vector.broadcast %parallel_loop3A_361 : i32 to vector<16xi32>
        %parallel_loop3A_363 = arith.addi %parallel_loop3A_320, %parallel_loop3A_362 : vector<16xi32>
        %parallel_loop3A_364 = tpu.vector_load_idx %arg6[%parallel_loop3A_363] : memref<81920xf32, #tpu.memory_space<vmem>>[vector<16xi32>], vector<16xf32>,
        %parallel_loop3A_365 = arith.constant 16 : i32
        %parallel_loop3A_366 = arith.muli %parallel_loop3A_316, %parallel_loop3A_365 : i32
        %parallel_loop3A_367 = arith.constant 4 : i32
        %parallel_loop3A_368 = arith.index_cast %parallel_loop3A_367 : i32 to index
        %parallel_loop3A_369 = arith.index_cast %parallel_loop3A_366 : i32 to index
        %parallel_loop3A_370 = tpu.vector_load %arg10[%parallel_loop3A_368, %parallel_loop3A_369] {strides = array<i32>} : memref<8x1280xf32, #tpu.memory_space<vmem>>, vector<16xf32>,
        tpu.vector_store %arg10[%parallel_loop3A_368, %parallel_loop3A_369], %parallel_loop3A_364 {strides = array<i32>} : memref<8x1280xf32, #tpu.memory_space<vmem>>, vector<16xf32>,
        %parallel_loop3A_371 = arith.constant 51200 : i32
        %parallel_loop3A_372 = vector.broadcast %parallel_loop3A_371 : i32 to vector<16xi32>
        %parallel_loop3A_373 = arith.addi %parallel_loop3A_320, %parallel_loop3A_372 : vector<16xi32>
        %parallel_loop3A_374 = tpu.vector_load_idx %arg6[%parallel_loop3A_373] : memref<81920xf32, #tpu.memory_space<vmem>>[vector<16xi32>], vector<16xf32>,
        %parallel_loop3A_375 = arith.constant 16 : i32
        %parallel_loop3A_376 = arith.muli %parallel_loop3A_316, %parallel_loop3A_375 : i32
        %parallel_loop3A_377 = arith.constant 5 : i32
        %parallel_loop3A_378 = arith.index_cast %parallel_loop3A_377 : i32 to index
        %parallel_loop3A_379 = arith.index_cast %parallel_loop3A_376 : i32 to index
        %parallel_loop3A_380 = tpu.vector_load %arg10[%parallel_loop3A_378, %parallel_loop3A_379] {strides = array<i32>} : memref<8x1280xf32, #tpu.memory_space<vmem>>, vector<16xf32>,
        tpu.vector_store %arg10[%parallel_loop3A_378, %parallel_loop3A_379], %parallel_loop3A_374 {strides = array<i32>} : memref<8x1280xf32, #tpu.memory_space<vmem>>, vector<16xf32>,
        %parallel_loop3A_381 = arith.constant 61440 : i32
        %parallel_loop3A_382 = vector.broadcast %parallel_loop3A_381 : i32 to vector<16xi32>
        %parallel_loop3A_383 = arith.addi %parallel_loop3A_320, %parallel_loop3A_382 : vector<16xi32>
        %parallel_loop3A_384 = tpu.vector_load_idx %arg6[%parallel_loop3A_383] : memref<81920xf32, #tpu.memory_space<vmem>>[vector<16xi32>], vector<16xf32>,
        %parallel_loop3A_385 = arith.constant 16 : i32
        %parallel_loop3A_386 = arith.muli %parallel_loop3A_316, %parallel_loop3A_385 : i32
        %parallel_loop3A_387 = arith.constant 6 : i32
        %parallel_loop3A_388 = arith.index_cast %parallel_loop3A_387 : i32 to index
        %parallel_loop3A_389 = arith.index_cast %parallel_loop3A_386 : i32 to index
        %parallel_loop3A_390 = tpu.vector_load %arg10[%parallel_loop3A_388, %parallel_loop3A_389] {strides = array<i32>} : memref<8x1280xf32, #tpu.memory_space<vmem>>, vector<16xf32>,
        tpu.vector_store %arg10[%parallel_loop3A_388, %parallel_loop3A_389], %parallel_loop3A_384 {strides = array<i32>} : memref<8x1280xf32, #tpu.memory_space<vmem>>, vector<16xf32>,
        %parallel_loop3A_391 = arith.constant 71680 : i32
        %parallel_loop3A_392 = vector.broadcast %parallel_loop3A_391 : i32 to vector<16xi32>
        %parallel_loop3A_393 = arith.addi %parallel_loop3A_320, %parallel_loop3A_392 : vector<16xi32>
        %parallel_loop3A_394 = tpu.vector_load_idx %arg6[%parallel_loop3A_393] : memref<81920xf32, #tpu.memory_space<vmem>>[vector<16xi32>], vector<16xf32>,
        %parallel_loop3A_395 = arith.constant 16 : i32
        %parallel_loop3A_396 = arith.muli %parallel_loop3A_316, %parallel_loop3A_395 : i32
        %parallel_loop3A_397 = arith.constant 7 : i32
        %parallel_loop3A_398 = arith.index_cast %parallel_loop3A_397 : i32 to index
        %parallel_loop3A_399 = arith.index_cast %parallel_loop3A_396 : i32 to index
        %parallel_loop3A_400 = tpu.vector_load %arg10[%parallel_loop3A_398, %parallel_loop3A_399] {strides = array<i32>} : memref<8x1280xf32, #tpu.memory_space<vmem>>, vector<16xf32>,
        tpu.vector_store %arg10[%parallel_loop3A_398, %parallel_loop3A_399], %parallel_loop3A_394 {strides = array<i32>} : memref<8x1280xf32, #tpu.memory_space<vmem>>, vector<16xf32>,
      } {sc.loop_unroll_factor = 8 : i64, sc.parallel_access}
      %add3A_305 = arith.constant 1 : i32
      %add3A_306 = arith.addi %mul3A_236, %add3A_305 : i32
      %mul3A_307 = arith.constant 8 : i32
      %mul3A_308 = arith.muli %select_n3A_9, %mul3A_307 : i32
      %mul3A_309 = arith.constant 160000 : i32
      %mul3A_310 = arith.muli %select_n3A_30, %mul3A_309 : i32
      %mul3A_311 = arith.constant 1280 : i32
      %mul3A_312 = arith.muli %add3A_306, %mul3A_311 : i32
      %add3A_313 = arith.addi %mul3A_310, %mul3A_312 : i32
      %dma_start3A_314 = tpu.memref_slice %arg5[%mul3A_308, %add3A_313] : memref<144x320000xf32, #tpu.memory_space<hbm>> -> memref<8x1280xf32, #tpu.memory_space<hbm>>
      %dma_start3A_315 = tpu.memref_slice %arg5[%mul3A_308, %add3A_313] : memref<144x320000xf32, #tpu.memory_space<hbm>> -> memref<8x1280xf32, #tpu.memory_space<hbm>>
      tpu.enqueue_dma source(%arg10 : memref<8x1280xf32, #tpu.memory_space<vmem>>) target(%dma_start3A_315 : memref<8x1280xf32, #tpu.memory_space<hbm>>) target_semaphore(%arg18 : memref<!tpu.dma_semaphore, #tpu.memory_space<semaphore_mem>>)
    }
    %scan3A_201 = arith.constant 62 : i32
    %dma_wait3A_202 = arith.constant 0 : i32
    %dma_wait3A_203 = tpu.memref_slice %arg3[%dma_wait3A_202] : memref<320000xi32, #tpu.memory_space<hbm>> -> memref<1280xi32, #tpu.memory_space<hbm>>
    %dma_wait3A_204 = arith.constant 0 : i32
    %dma_wait3A_205 = tpu.memref_slice %arg3[%dma_wait3A_204] : memref<320000xi32, #tpu.memory_space<hbm>> -> memref<1280xi32, #tpu.memory_space<hbm>>
    tpu.wait_dma2 semaphore(%arg15 : memref<!tpu.dma_semaphore, #tpu.memory_space<semaphore_mem>>) src(%dma_wait3A_205 : memref<1280xi32, #tpu.memory_space<hbm>>) dst(%arg7 : memref<1280xi32, #tpu.memory_space<vmem>>)
    %dma_wait3A_206 = arith.constant 0 : i32
    %dma_wait3A_207 = arith.constant 0 : i32
    %dma_wait3A_208 = tpu.memref_slice %arg5[%dma_wait3A_206, %dma_wait3A_207] : memref<144x320000xf32, #tpu.memory_space<hbm>> -> memref<8x1280xf32, #tpu.memory_space<hbm>>
    %dma_wait3A_209 = arith.constant 0 : i32
    %dma_wait3A_210 = arith.constant 0 : i32
    %dma_wait3A_211 = tpu.memref_slice %arg5[%dma_wait3A_209, %dma_wait3A_210] : memref<144x320000xf32, #tpu.memory_space<hbm>> -> memref<8x1280xf32, #tpu.memory_space<hbm>>
    tpu.wait_dma2 semaphore(%arg17 : memref<!tpu.dma_semaphore, #tpu.memory_space<semaphore_mem>>) src(%dma_wait3A_211 : memref<8x1280xf32, #tpu.memory_space<hbm>>) dst(%arg9 : memref<8x1280xf32, #tpu.memory_space<vmem>>)
    %parallel_loop3A = arith.constant 0 : i32
    %parallel_loop3A_212 = arith.constant 80 : i32
    %parallel_loop3A_213 = arith.constant 1 : i32
    scf.for %parallel_loop3A_234 = %parallel_loop3A to %parallel_loop3A_212 step %parallel_loop3A_213  : i32 {
      %parallel_loop3A_235 = arith.constant 16 : i32
      %parallel_loop3A_236 = arith.muli %parallel_loop3A_234, %parallel_loop3A_235 : i32
      %parallel_loop3A_237 = arith.index_cast %parallel_loop3A_236 : i32 to index
      %parallel_loop3A_238 = tpu.vector_load %arg7[%parallel_loop3A_237] {strides = array<i32>} : memref<1280xi32, #tpu.memory_space<vmem>>, vector<16xi32>,
      %parallel_loop3A_239 = arith.constant 0 : i32
      %parallel_loop3A_240 = vector.broadcast %parallel_loop3A_239 : i32 to vector<16xi32>
      %parallel_loop3A_241 = arith.addi %parallel_loop3A_238, %parallel_loop3A_240 : vector<16xi32>
      %parallel_loop3A_242 = tpu.vector_load_idx %arg6[%parallel_loop3A_241] : memref<81920xf32, #tpu.memory_space<vmem>>[vector<16xi32>], vector<16xf32>,
      %parallel_loop3A_243 = arith.constant 16 : i32
      %parallel_loop3A_244 = arith.muli %parallel_loop3A_234, %parallel_loop3A_243 : i32
      %parallel_loop3A_245 = arith.constant 0 : i32
      %parallel_loop3A_246 = arith.index_cast %parallel_loop3A_245 : i32 to index
      %parallel_loop3A_247 = arith.index_cast %parallel_loop3A_244 : i32 to index
      %parallel_loop3A_248 = tpu.vector_load %arg9[%parallel_loop3A_246, %parallel_loop3A_247] {strides = array<i32>} : memref<8x1280xf32, #tpu.memory_space<vmem>>, vector<16xf32>,
      tpu.vector_store %arg9[%parallel_loop3A_246, %parallel_loop3A_247], %parallel_loop3A_242 {strides = array<i32>} : memref<8x1280xf32, #tpu.memory_space<vmem>>, vector<16xf32>,
      %parallel_loop3A_249 = arith.constant 10240 : i32
      %parallel_loop3A_250 = vector.broadcast %parallel_loop3A_249 : i32 to vector<16xi32>
      %parallel_loop3A_251 = arith.addi %parallel_loop3A_238, %parallel_loop3A_250 : vector<16xi32>
      %parallel_loop3A_252 = tpu.vector_load_idx %arg6[%parallel_loop3A_251] : memref<81920xf32, #tpu.memory_space<vmem>>[vector<16xi32>], vector<16xf32>,
      %parallel_loop3A_253 = arith.constant 16 : i32
      %parallel_loop3A_254 = arith.muli %parallel_loop3A_234, %parallel_loop3A_253 : i32
      %parallel_loop3A_255 = arith.constant 1 : i32
      %parallel_loop3A_256 = arith.index_cast %parallel_loop3A_255 : i32 to index
      %parallel_loop3A_257 = arith.index_cast %parallel_loop3A_254 : i32 to index
      %parallel_loop3A_258 = tpu.vector_load %arg9[%parallel_loop3A_256, %parallel_loop3A_257] {strides = array<i32>} : memref<8x1280xf32, #tpu.memory_space<vmem>>, vector<16xf32>,
      tpu.vector_store %arg9[%parallel_loop3A_256, %parallel_loop3A_257], %parallel_loop3A_252 {strides = array<i32>} : memref<8x1280xf32, #tpu.memory_space<vmem>>, vector<16xf32>,
      %parallel_loop3A_259 = arith.constant 20480 : i32
      %parallel_loop3A_260 = vector.broadcast %parallel_loop3A_259 : i32 to vector<16xi32>
      %parallel_loop3A_261 = arith.addi %parallel_loop3A_238, %parallel_loop3A_260 : vector<16xi32>
      %parallel_loop3A_262 = tpu.vector_load_idx %arg6[%parallel_loop3A_261] : memref<81920xf32, #tpu.memory_space<vmem>>[vector<16xi32>], vector<16xf32>,
      %parallel_loop3A_263 = arith.constant 16 : i32
      %parallel_loop3A_264 = arith.muli %parallel_loop3A_234, %parallel_loop3A_263 : i32
      %parallel_loop3A_265 = arith.constant 2 : i32
      %parallel_loop3A_266 = arith.index_cast %parallel_loop3A_265 : i32 to index
      %parallel_loop3A_267 = arith.index_cast %parallel_loop3A_264 : i32 to index
      %parallel_loop3A_268 = tpu.vector_load %arg9[%parallel_loop3A_266, %parallel_loop3A_267] {strides = array<i32>} : memref<8x1280xf32, #tpu.memory_space<vmem>>, vector<16xf32>,
      tpu.vector_store %arg9[%parallel_loop3A_266, %parallel_loop3A_267], %parallel_loop3A_262 {strides = array<i32>} : memref<8x1280xf32, #tpu.memory_space<vmem>>, vector<16xf32>,
      %parallel_loop3A_269 = arith.constant 30720 : i32
      %parallel_loop3A_270 = vector.broadcast %parallel_loop3A_269 : i32 to vector<16xi32>
      %parallel_loop3A_271 = arith.addi %parallel_loop3A_238, %parallel_loop3A_270 : vector<16xi32>
      %parallel_loop3A_272 = tpu.vector_load_idx %arg6[%parallel_loop3A_271] : memref<81920xf32, #tpu.memory_space<vmem>>[vector<16xi32>], vector<16xf32>,
      %parallel_loop3A_273 = arith.constant 16 : i32
      %parallel_loop3A_274 = arith.muli %parallel_loop3A_234, %parallel_loop3A_273 : i32
      %parallel_loop3A_275 = arith.constant 3 : i32
      %parallel_loop3A_276 = arith.index_cast %parallel_loop3A_275 : i32 to index
      %parallel_loop3A_277 = arith.index_cast %parallel_loop3A_274 : i32 to index
      %parallel_loop3A_278 = tpu.vector_load %arg9[%parallel_loop3A_276, %parallel_loop3A_277] {strides = array<i32>} : memref<8x1280xf32, #tpu.memory_space<vmem>>, vector<16xf32>,
      tpu.vector_store %arg9[%parallel_loop3A_276, %parallel_loop3A_277], %parallel_loop3A_272 {strides = array<i32>} : memref<8x1280xf32, #tpu.memory_space<vmem>>, vector<16xf32>,
      %parallel_loop3A_279 = arith.constant 40960 : i32
      %parallel_loop3A_280 = vector.broadcast %parallel_loop3A_279 : i32 to vector<16xi32>
      %parallel_loop3A_281 = arith.addi %parallel_loop3A_238, %parallel_loop3A_280 : vector<16xi32>
      %parallel_loop3A_282 = tpu.vector_load_idx %arg6[%parallel_loop3A_281] : memref<81920xf32, #tpu.memory_space<vmem>>[vector<16xi32>], vector<16xf32>,
      %parallel_loop3A_283 = arith.constant 16 : i32
      %parallel_loop3A_284 = arith.muli %parallel_loop3A_234, %parallel_loop3A_283 : i32
      %parallel_loop3A_285 = arith.constant 4 : i32
      %parallel_loop3A_286 = arith.index_cast %parallel_loop3A_285 : i32 to index
      %parallel_loop3A_287 = arith.index_cast %parallel_loop3A_284 : i32 to index
      %parallel_loop3A_288 = tpu.vector_load %arg9[%parallel_loop3A_286, %parallel_loop3A_287] {strides = array<i32>} : memref<8x1280xf32, #tpu.memory_space<vmem>>, vector<16xf32>,
      tpu.vector_store %arg9[%parallel_loop3A_286, %parallel_loop3A_287], %parallel_loop3A_282 {strides = array<i32>} : memref<8x1280xf32, #tpu.memory_space<vmem>>, vector<16xf32>,
      %parallel_loop3A_289 = arith.constant 51200 : i32
      %parallel_loop3A_290 = vector.broadcast %parallel_loop3A_289 : i32 to vector<16xi32>
      %parallel_loop3A_291 = arith.addi %parallel_loop3A_238, %parallel_loop3A_290 : vector<16xi32>
      %parallel_loop3A_292 = tpu.vector_load_idx %arg6[%parallel_loop3A_291] : memref<81920xf32, #tpu.memory_space<vmem>>[vector<16xi32>], vector<16xf32>,
      %parallel_loop3A_293 = arith.constant 16 : i32
      %parallel_loop3A_294 = arith.muli %parallel_loop3A_234, %parallel_loop3A_293 : i32
      %parallel_loop3A_295 = arith.constant 5 : i32
      %parallel_loop3A_296 = arith.index_cast %parallel_loop3A_295 : i32 to index
      %parallel_loop3A_297 = arith.index_cast %parallel_loop3A_294 : i32 to index
      %parallel_loop3A_298 = tpu.vector_load %arg9[%parallel_loop3A_296, %parallel_loop3A_297] {strides = array<i32>} : memref<8x1280xf32, #tpu.memory_space<vmem>>, vector<16xf32>,
      tpu.vector_store %arg9[%parallel_loop3A_296, %parallel_loop3A_297], %parallel_loop3A_292 {strides = array<i32>} : memref<8x1280xf32, #tpu.memory_space<vmem>>, vector<16xf32>,
      %parallel_loop3A_299 = arith.constant 61440 : i32
      %parallel_loop3A_300 = vector.broadcast %parallel_loop3A_299 : i32 to vector<16xi32>
      %parallel_loop3A_301 = arith.addi %parallel_loop3A_238, %parallel_loop3A_300 : vector<16xi32>
      %parallel_loop3A_302 = tpu.vector_load_idx %arg6[%parallel_loop3A_301] : memref<81920xf32, #tpu.memory_space<vmem>>[vector<16xi32>], vector<16xf32>,
      %parallel_loop3A_303 = arith.constant 16 : i32
      %parallel_loop3A_304 = arith.muli %parallel_loop3A_234, %parallel_loop3A_303 : i32
      %parallel_loop3A_305 = arith.constant 6 : i32
      %parallel_loop3A_306 = arith.index_cast %parallel_loop3A_305 : i32 to index
      %parallel_loop3A_307 = arith.index_cast %parallel_loop3A_304 : i32 to index
      %parallel_loop3A_308 = tpu.vector_load %arg9[%parallel_loop3A_306, %parallel_loop3A_307] {strides = array<i32>} : memref<8x1280xf32, #tpu.memory_space<vmem>>, vector<16xf32>,
      tpu.vector_store %arg9[%parallel_loop3A_306, %parallel_loop3A_307], %parallel_loop3A_302 {strides = array<i32>} : memref<8x1280xf32, #tpu.memory_space<vmem>>, vector<16xf32>,
      %parallel_loop3A_309 = arith.constant 71680 : i32
      %parallel_loop3A_310 = vector.broadcast %parallel_loop3A_309 : i32 to vector<16xi32>
      %parallel_loop3A_311 = arith.addi %parallel_loop3A_238, %parallel_loop3A_310 : vector<16xi32>
      %parallel_loop3A_312 = tpu.vector_load_idx %arg6[%parallel_loop3A_311] : memref<81920xf32, #tpu.memory_space<vmem>>[vector<16xi32>], vector<16xf32>,
      %parallel_loop3A_313 = arith.constant 16 : i32
      %parallel_loop3A_314 = arith.muli %parallel_loop3A_234, %parallel_loop3A_313 : i32
      %parallel_loop3A_315 = arith.constant 7 : i32
      %parallel_loop3A_316 = arith.index_cast %parallel_loop3A_315 : i32 to index
      %parallel_loop3A_317 = arith.index_cast %parallel_loop3A_314 : i32 to index
      %parallel_loop3A_318 = tpu.vector_load %arg9[%parallel_loop3A_316, %parallel_loop3A_317] {strides = array<i32>} : memref<8x1280xf32, #tpu.memory_space<vmem>>, vector<16xf32>,
      tpu.vector_store %arg9[%parallel_loop3A_316, %parallel_loop3A_317], %parallel_loop3A_312 {strides = array<i32>} : memref<8x1280xf32, #tpu.memory_space<vmem>>, vector<16xf32>,
    } {sc.loop_unroll_factor = 8 : i64, sc.parallel_access}
    %mul3A_214 = arith.constant 8 : i32
    %mul3A_215 = arith.muli %select_n3A_9, %mul3A_214 : i32
    %mul3A_216 = arith.constant 160000 : i32
    %mul3A_217 = arith.muli %select_n3A_30, %mul3A_216 : i32
    %add3A_218 = arith.constant 158720 : i32
    %add3A_219 = arith.addi %mul3A_217, %add3A_218 : i32
    %dma_start3A_220 = tpu.memref_slice %arg5[%mul3A_215, %add3A_219] : memref<144x320000xf32, #tpu.memory_space<hbm>> -> memref<8x1280xf32, #tpu.memory_space<hbm>>
    %dma_start3A_221 = tpu.memref_slice %arg5[%mul3A_215, %add3A_219] : memref<144x320000xf32, #tpu.memory_space<hbm>> -> memref<8x1280xf32, #tpu.memory_space<hbm>>
    tpu.enqueue_dma source(%arg9 : memref<8x1280xf32, #tpu.memory_space<vmem>>) target(%dma_start3A_221 : memref<8x1280xf32, #tpu.memory_space<hbm>>) target_semaphore(%arg17 : memref<!tpu.dma_semaphore, #tpu.memory_space<semaphore_mem>>)
    %dma_wait3A_222 = arith.constant 0 : i32
    %dma_wait3A_223 = arith.constant 0 : i32
    %dma_wait3A_224 = tpu.memref_slice %arg5[%dma_wait3A_222, %dma_wait3A_223] : memref<144x320000xf32, #tpu.memory_space<hbm>> -> memref<8x1280xf32, #tpu.memory_space<hbm>>
    %dma_wait3A_225 = arith.constant 0 : i32
    %dma_wait3A_226 = arith.constant 0 : i32
    %dma_wait3A_227 = tpu.memref_slice %arg5[%dma_wait3A_225, %dma_wait3A_226] : memref<144x320000xf32, #tpu.memory_space<hbm>> -> memref<8x1280xf32, #tpu.memory_space<hbm>>
    tpu.wait_dma2 semaphore(%arg17 : memref<!tpu.dma_semaphore, #tpu.memory_space<semaphore_mem>>) src(%dma_wait3A_227 : memref<8x1280xf32, #tpu.memory_space<hbm>>) dst(%arg9 : memref<8x1280xf32, #tpu.memory_space<vmem>>)
    %dma_wait3A_228 = arith.constant 0 : i32
    %dma_wait3A_229 = arith.constant 0 : i32
    %dma_wait3A_230 = tpu.memref_slice %arg5[%dma_wait3A_228, %dma_wait3A_229] : memref<144x320000xf32, #tpu.memory_space<hbm>> -> memref<8x1280xf32, #tpu.memory_space<hbm>>
    %dma_wait3A_231 = arith.constant 0 : i32
    %dma_wait3A_232 = arith.constant 0 : i32
    %dma_wait3A_233 = tpu.memref_slice %arg5[%dma_wait3A_231, %dma_wait3A_232] : memref<144x320000xf32, #tpu.memory_space<hbm>> -> memref<8x1280xf32, #tpu.memory_space<hbm>>
    tpu.wait_dma2 semaphore(%arg18 : memref<!tpu.dma_semaphore, #tpu.memory_space<semaphore_mem>>) src(%dma_wait3A_233 : memref<8x1280xf32, #tpu.memory_space<hbm>>) dst(%arg10 : memref<8x1280xf32, #tpu.memory_space<vmem>>)
    return
  }
}

module attributes {stable_mosaic.version = 14 : i64} {
  func.func @_proj_t_body(%arg0: i32, %arg1: memref<128x128xf32, #tpu.memory_space<vmem>>, %arg2: memref<10240x128xf32, #tpu.memory_space<vmem>>, %arg3: memref<128x1xf32, #tpu.memory_space<vmem>>, %arg4: memref<128x10240xf32, #tpu.memory_space<vmem>>) attributes {dimension_semantics = [#tpu.dimension_semantics<arbitrary>], iteration_bounds = array<i64: 1>, scalar_prefetch = 0 : i64, scratch_operands = 0 : i64, tpu.core_type = #tpu.core_type<tc>, window_params = [{pipeline_mode = #tpu.pipeline_mode<synchronous>, transform_indices = @transform_0, window_bounds = array<i64: 128, 128>}, {transform_indices = @transform_1, window_bounds = array<i64: 10240, 128>}, {pipeline_mode = #tpu.pipeline_mode<synchronous>, transform_indices = @transform_2, window_bounds = array<i64: 128, 1>}, {transform_indices = @transform_3, window_bounds = array<i64: 128, 10240>}]} {
    %get3A = arith.constant 0 : index
    %get3A_0 = arith.constant 0 : index
    %get3A_1 = vector.load %arg1[%get3A, %get3A_0] : memref<128x128xf32, #tpu.memory_space<vmem>>, vector<128x128xf32>
    %get3A_2 = arith.constant 0 : index
    %get3A_3 = arith.constant 0 : index
    %get3A_4 = vector.load %arg2[%get3A_2, %get3A_3] : memref<10240x128xf32, #tpu.memory_space<vmem>>, vector<10240x128xf32>
    %dot_general3A = arith.constant dense<0.000000e+00> : vector<128x10240xf32>
    %dot_general3A_5 = tpu.matmul %get3A_1, %get3A_4, %dot_general3A {dimension_numbers = #tpu.dot_dimension_numbers<[0], [1], [1], [0], [0, 1, 1, 0], [], []>, transpose_lhs_hint = false} : vector<128x128xf32>, vector<10240x128xf32>, vector<128x10240xf32> -> vector<128x10240xf32>
    %get3A_6 = arith.constant 0 : index
    %get3A_7 = arith.constant 0 : index
    %get3A_8 = vector.load %arg3[%get3A_6, %get3A_7] : memref<128x1xf32, #tpu.memory_space<vmem>>, vector<128x1xf32>
    %add3A = vector.broadcast %get3A_8 : vector<128x1xf32> to vector<128x10240xf32>
    %add3A_9 = arith.addf %dot_general3A_5, %add3A : vector<128x10240xf32>
    %swap3A = arith.constant 0 : index
    %swap3A_10 = arith.constant 0 : index
    %swap3A_11 = vector.load %arg4[%swap3A, %swap3A_10] : memref<128x10240xf32, #tpu.memory_space<vmem>>, vector<128x10240xf32>
    tpu.vector_store %arg4[%swap3A, %swap3A_10], %add3A_9 {strides = array<i32>} : memref<128x10240xf32, #tpu.memory_space<vmem>>, vector<128x10240xf32>,
    return
  }
  func.func @transform_0(%arg0: i32) -> (i32, i32) {
    %c0_i32 = arith.constant 0 : i32
    %c0_i32_0 = arith.constant 0 : i32
    %c0_i32_1 = arith.constant 0 : i32
    return %c0_i32, %c0_i32_0 : i32, i32
  }
  func.func @transform_1(%arg0: i32) -> (i32, i32) {
    %c0_i32 = arith.constant 0 : i32
    %c0_i32_0 = arith.constant 0 : i32
    return %arg0, %c0_i32 : i32, i32
  }
  func.func @transform_2(%arg0: i32) -> (i32, i32) {
    %c0_i32 = arith.constant 0 : i32
    %c0_i32_0 = arith.constant 0 : i32
    %c0_i32_1 = arith.constant 0 : i32
    return %c0_i32, %c0_i32_0 : i32, i32
  }
  func.func @transform_3(%arg0: i32) -> (i32, i32) {
    %c0_i32 = arith.constant 0 : i32
    %c0_i32_0 = arith.constant 0 : i32
    return %c0_i32, %arg0 : i32, i32
  }
}

module attributes {stable_mosaic.version = 14 : i64} {
  func.func @_proj_t_body(%arg0: i32, %arg1: memref<16x16xf32, #tpu.memory_space<vmem>>, %arg2: memref<16x32000xf32, #tpu.memory_space<vmem>>, %arg3: memref<16x1xf32, #tpu.memory_space<vmem>>, %arg4: memref<16x32000xf32, #tpu.memory_space<vmem>>) attributes {dimension_semantics = [#tpu.dimension_semantics<arbitrary>], iteration_bounds = array<i64: 10>, scalar_prefetch = 0 : i64, scratch_operands = 0 : i64, tpu.core_type = #tpu.core_type<tc>, window_params = [{pipeline_mode = #tpu.pipeline_mode<synchronous>, transform_indices = @transform_0, window_bounds = array<i64: 16, 16>}, {transform_indices = @transform_1, window_bounds = array<i64: 16, 32000>}, {pipeline_mode = #tpu.pipeline_mode<synchronous>, transform_indices = @transform_2, window_bounds = array<i64: 16, 1>}, {transform_indices = @transform_3, window_bounds = array<i64: 16, 32000>}]} {
    %get3A = arith.constant 0 : index
    %get3A_0 = arith.constant 0 : index
    %get3A_1 = vector.load %arg1[%get3A, %get3A_0] : memref<16x16xf32, #tpu.memory_space<vmem>>, vector<16x16xf32>
    %get3A_2 = arith.constant 0 : index
    %get3A_3 = arith.constant 0 : index
    %get3A_4 = vector.load %arg2[%get3A_2, %get3A_3] : memref<16x32000xf32, #tpu.memory_space<vmem>>, vector<16x32000xf32>
    %dot_general3A = arith.constant dense<0.000000e+00> : vector<16x32000xf32>
    %dot_general3A_5 = tpu.matmul %get3A_1, %get3A_4, %dot_general3A {dimension_numbers = #tpu.dot_dimension_numbers<[0], [0], [1], [1], [0, 1, 1, 1], [], []>, transpose_lhs_hint = false} : vector<16x16xf32>, vector<16x32000xf32>, vector<16x32000xf32> -> vector<16x32000xf32>
    %get3A_6 = arith.constant 0 : index
    %get3A_7 = arith.constant 0 : index
    %get3A_8 = vector.load %arg3[%get3A_6, %get3A_7] : memref<16x1xf32, #tpu.memory_space<vmem>>, vector<16x1xf32>
    %add3A = vector.broadcast %get3A_8 : vector<16x1xf32> to vector<16x32000xf32>
    %add3A_9 = arith.addf %dot_general3A_5, %add3A : vector<16x32000xf32>
    %swap3A = arith.constant 0 : index
    %swap3A_10 = arith.constant 0 : index
    %swap3A_11 = vector.load %arg4[%swap3A, %swap3A_10] : memref<16x32000xf32, #tpu.memory_space<vmem>>, vector<16x32000xf32>
    tpu.vector_store %arg4[%swap3A, %swap3A_10], %add3A_9 {strides = array<i32>} : memref<16x32000xf32, #tpu.memory_space<vmem>>, vector<16x32000xf32>,
    return
  }
  func.func @transform_0(%arg0: i32) -> (i32, i32) {
    %c0_i32 = arith.constant 0 : i32
    %c0_i32_0 = arith.constant 0 : i32
    %c0_i32_1 = arith.constant 0 : i32
    return %c0_i32, %c0_i32_0 : i32, i32
  }
  func.func @transform_1(%arg0: i32) -> (i32, i32) {
    %c0_i32 = arith.constant 0 : i32
    %c0_i32_0 = arith.constant 0 : i32
    return %c0_i32, %arg0 : i32, i32
  }
  func.func @transform_2(%arg0: i32) -> (i32, i32) {
    %c0_i32 = arith.constant 0 : i32
    %c0_i32_0 = arith.constant 0 : i32
    %c0_i32_1 = arith.constant 0 : i32
    return %c0_i32, %c0_i32_0 : i32, i32
  }
  func.func @transform_3(%arg0: i32) -> (i32, i32) {
    %c0_i32 = arith.constant 0 : i32
    %c0_i32_0 = arith.constant 0 : i32
    return %c0_i32, %arg0 : i32, i32
  }
}

</mosaic_0001>

<sc_bundles>
// kernel: kernel.5.cloned.1.call-start
scs
__scs_entry_jumppad:
0x0: {  	(pc) =	sbr.rel $0x88, $3  }
0x1: {  	(tag) =	ssettag $0x0;
	lr =	simm.s32 $0x1  }
0x2: {  	[smem:$0x3F9A] =	sst lr;
	_ =	strace $0xD0000000  }
0x3: {  	_ = 	snop  }
0x4: {  	_ = 	snop  }
0x5: {  	_ = 	snop  }
0x6: {  	_ = 	snop  }
0x7: {  	_ = 	snop  }
__scs_overlays_trampoline_lowered:
0x8: {  	[smem:$0x3FA9] =	sst s0  }
0x9: {  	[smem:$0x3FAA] =	sst s1  }
0xa: {  	[smem:$0x3FAB] =	sst s2  }
0xb: {  	[smem:$0x3FAC] =	sst s3  }
0xc: {  	[smem:$0x3FAD] =	sst s4  }
0xd: {  	[smem:$0x3FAE] =	sst s5  }
0xe: {  	[smem:$0x3FAF] =	sst s6  }
0xf: {  	[smem:$0x3FB0] =	sst s7  }
0x10: {  	[smem:$0x3FB1] =	sst s8  }
0x11: {  	[smem:$0x3FB2] =	sst s9;
	s0 =	simm.s32 @!p0 $0x0  }
0x12: {  	s1 =	sld [smem:$0x3F98];
	s0 =	simm.s32 @p0 $0x1  }
0x13: {  	[smem:$0x3FB3] =	sst s0;
	s0 =	simm.s32 @!p1 $0x0  }
0x14: {  	s2 =	sld [smem:$0x3F97];
	s0 =	simm.s32 @p1 $0x1  }
0x15: {  	[smem:$0x3FB4] =	sst s0;
	s0 =	simm.s32 @!p2 $0x0  }
0x16: {  	s3 =	sld [smem:$0x3FDB];
	s0 =	simm.s32 @p2 $0x1  }
0x17: {  	s4 =	simm.s32 $0x1BF5;
	[smem:$0x3FB6] =	sst s0  }
0x18: {  	s0 =	sld [smem:$0x3F99];
	_ =	swait.ge [sflag:s4], $0x0  }
0x19: {  	s7 =	sld [smem:$0x3F9A]  }
0x1a: {  	s8 =	sadd.s32 $0xFFFFE003, lr  }
0x1b: {  	s9 =	sadd.s32 $0xFFFFFEF7, lr;
	s5 =	simm.s32 $0xFFFFFFFF;
	p2 =	slt.u32 s8, $0xFFFFF086  }
0x1c: {  	p1 =	slt.u32 s9, $0xF7A;
	s5 =	simm.s32 @!p2 $0x0  }
0x1d: {  	s5 =	simm.s32 @p1 $0x1;
	p0 =	seq.s32 s7, s2  }
0x1e: {  	s7 =	smul.u32 @!p0 $0xF7A, s2;
	p2 =	seq.s32 @!p0 s5, $0x0  }
0x1f: {  	s9 =	smul.u32 $0xF7A, s1;
	s8 =	simm.s32 @!p0 $0x1BF5;
	p2 =	por !p2, p0  }
0x20: {  	[sflag:s8] =	ssyncset.s32 @!p0 $0xFFFFF086;
	s6 =	sadd.s32 @!p0 s3, s7;
	s7 =	simm.s32 @!p0 $0x108  }
0x21: {  	s3 =	sadd.s32 s3, s9;
	s6 =	sadd.s32 @!p0 $0x88, s6;
	s7 =	simm.s32 @p2 $0x1082  }
0x22: {  	[simem:s7], [sflag:s8] =	dma.local @!p0 [hbm:s6], $0xF7A  }
0x23: {  	s9 =	sor.u32 $0xD0000000, s2;
	s6 =	simm.s32 $0x108;
	_ =	swait.ge @!p0 [sflag:s8], $0x0  }
0x24: {  	s3 =	sadd.s32 $0x88, s3;
	s6 =	simm.s32 @!p1 $0x1082;
	[sflag:s4] =	ssyncset.s32 $0xFFFFF086  }
0x25: {  	[simem:s6], [sflag:s4] =	dma.local [hbm:s3], $0xF7A  }
0x26: {  	[smem:$0x3F9A] =	sst s1;
	(tag) =	ssettag s2;
	_ =	strace s9  }
0x27: {  	s1 =	sld [smem:$0x3FAA]  }
0x28: {  	s2 =	sld [smem:$0x3FAB]  }
0x29: {  	s4 =	sld [smem:$0x3FAD]  }
0x2a: {  	p0 =	seq.s32 s5, $0x0;
	s5 =	sld [smem:$0x3FAE]  }
0x2b: {  	s6 =	sld [smem:$0x3FAF]  }
0x2c: {  	s7 =	sld [smem:$0x3FB0]  }
0x2d: {  	s3 =	simm.s32 $0x108;
	s8 =	sld [smem:$0x3FB1]  }
0x2e: {  	s3 =	simm.s32 @!p0 $0x1082;
	s9 =	sld [smem:$0x3FB2]  }
0x2f: {  	lr =	sadd.s32 s0, s3;
	s0 =	sld [smem:$0x3FA9]  }
0x30: {  	s3 =	sld [smem:$0x3FAC]  }
0x31: {  	[smem:$0x3FB5] =	sst s10  }
0x32: {  	s10 =	sld [smem:$0x3FB3];
	_ =	sdelay $0x3  }
0x33: {  	p0 =	seq.s32 s10, $0x1;
	s10 =	sld [smem:$0x3FB5];
	_ =	sdelay $0x3  }
0x34: {  	[smem:$0x3FB5] =	sst s10  }
0x35: {  	s10 =	sld [smem:$0x3FB4];
	_ =	sdelay $0x3  }
0x36: {  	p1 =	seq.s32 s10, $0x1;
	s10 =	sld [smem:$0x3FB5];
	_ =	sdelay $0x3  }
0x37: {  	[smem:$0x3FB5] =	sst s10  }
0x38: {  	s10 =	sld [smem:$0x3FB6]  }
0x39: {  	_ = 	snop;
	(pc) =	sbr.ind lr, $3  }
0x3a: {  	_ = 	snop  }
0x3b: {  	_ = 	snop  }
0x3c: {  	p2 =	seq.s32 s10, $0x1;
	s10 =	sld [smem:$0x3FB5]  }
0x3d: {  	_ =	shalt  }
0x3e: {  	_ =	shalt  }
0x3f: {  	_ =	shalt  }
0x40: {  	_ =	shalt  }
0x41: {  	_ =	shalt  }
0x42: {  	_ =	shalt  }
0x43: {  	_ =	shalt  }
0x44: {  	_ =	shalt  }
0x45: {  	_ =	shalt  }
0x46: {  	_ =	shalt  }
0x47: {  	_ =	shalt  }
0x48: {  	_ =	shalt  }
0x49: {  	_ =	shalt  }
0x4a: {  	_ =	shalt  }
0x4b: {  	_ =	shalt  }
0x4c: {  	_ =	shalt  }
0x4d: {  	_ =	shalt  }
0x4e: {  	_ =	shalt  }
0x4f: {  	_ =	shalt  }
0x50: {  	_ =	shalt  }
0x51: {  	_ =	shalt  }
0x52: {  	_ =	shalt  }
0x53: {  	_ =	shalt  }
0x54: {  	_ =	shalt  }
0x55: {  	_ =	shalt  }
0x56: {  	_ =	shalt  }
0x57: {  	_ =	shalt  }
0x58: {  	_ =	shalt  }
0x59: {  	_ =	shalt  }
0x5a: {  	_ =	shalt  }
0x5b: {  	_ =	shalt  }
0x5c: {  	_ =	shalt  }
0x5d: {  	_ =	shalt  }
0x5e: {  	_ =	shalt  }
0x5f: {  	_ =	shalt  }
0x60: {  	_ =	shalt  }
0x61: {  	_ =	shalt  }
0x62: {  	_ =	shalt  }
0x63: {  	_ =	shalt  }
0x64: {  	_ =	shalt  }
0x65: {  	_ =	shalt  }
0x66: {  	_ =	shalt  }
0x67: {  	_ =	shalt  }
0x68: {  	_ =	shalt  }
0x69: {  	_ =	shalt  }
0x6a: {  	_ =	shalt  }
0x6b: {  	_ =	shalt  }
0x6c: {  	_ =	shalt  }
0x6d: {  	_ =	shalt  }
0x6e: {  	_ =	shalt  }
0x6f: {  	_ =	shalt  }
0x70: {  	_ =	shalt  }
0x71: {  	_ =	shalt  }
0x72: {  	_ =	shalt  }
0x73: {  	_ =	shalt  }
0x74: {  	_ =	shalt  }
0x75: {  	_ =	shalt  }
0x76: {  	_ =	shalt  }
0x77: {  	_ =	shalt  }
0x78: {  	_ =	shalt  }
0x79: {  	_ =	shalt  }
0x7a: {  	_ =	shalt  }
0x7b: {  	_ =	shalt  }
0x7c: {  	_ =	shalt  }
0x7d: {  	_ =	shalt  }
0x7e: {  	_ =	shalt  }
0x7f: {  	_ =	shalt  }
0x80: {  	_ =	shalt  }
0x81: {  	_ =	shalt  }
0x82: {  	_ =	shalt  }
0x83: {  	_ =	shalt  }
0x84: {  	_ =	shalt  }
0x85: {  	_ =	shalt  }
0x86: {  	_ =	shalt  }
0x87: {  	_ =	shalt  }
.Lfunc_end0:
.L_simem_size_0:
called_computation_lowered:
.L_overlay_start_0:
0x88: {  	s2 =	sld [smem:$0x3FD9]  }
0x89: {  	s3 =	sld [smem:$0x3FFE];
	_ =	sdelay $0x1  }
0x8a: {  	s1 =	srdreg.scid  }
0x8b: {  	s0 =	sand.u32 $0x1, s1  }
0x8c: {  	s17 =	sshll.u32 s0, $0xA;
	s2 =	sadd.s32 s3, s2  }
0x8d: {  	s2 =	sadd.s32 s2, s17  }
0x8e: {  	[smem:$0x3FC1] =	sst s2  }
0x8f: {  	_ = 	snop  }
0x90: {  	s2 =	sld [smem:$0x3FD0];
	(tm) =	ssettm $0x1  }
0x91: {  	s18 =	sld [smem:$0x3FFB];
	_ =	sdelay $0x3  }
0x92: {  	_ =	strace s18  }
0x93: {  	s3 =	sld [smem:$0x3FFC];
	_ =	sdelay $0x3  }
0x94: {  	_ =	strace s3  }
0x95: {  	s3 =	sld [smem:$0x3FFD];
	_ =	sdelay $0x3  }
0x96: {  	_ =	strace s3  }
0x97: {  	_ =	strace $0x8FFFFFFF  }
0x98: {  	s19 =	sld [smem:$0x3FDB];
	_ =	sdelay $0x1  }
0x99: {  	s4 =	simm.s32 $_scs_section_size  }
0x9a: {  	s5 =	simm.s32 $_size__tile_overlayer_lowered;
	s6 =	simm.s32 $_tile_overlayer_lowered  }
0x9b: {  	s22 =	simm.s32 $0x1BFF;
	s21 =	sshll.u32 s6, $0x1;
	s3 =	sadd.s32 s4, s19  }
0x9c: {  	s7 =	simm.s32 $0x0;
	s20 =	sshll.u32 s5, $0x1;
	s5 =	sadd.s32 s21, s3  }
0x9d: {  	[timem:s7], [sflag:s22] =	dma.local [hbm:s5], s20  }
0x9e: {  	_ =	swait.ge [sflag:s22], s20  }
0x9f: {  	s4 =	ssub.s32 $0x0, s20;
	[sflag:s22] =	ssyncset.done $0x0  }
0xa0: {  	[sflag:s22] =	ssyncadd.s32 s4;
	_ =	sdelay $0x1  }
0xa1: {  	s23 =	simm.s32 $0x1B8B  }
0xa2: {  	_ =	swait.ge [sflag:s23], $0x1  }
0xa3: {  	[sflag:s23] =	ssyncset.done $0x0  }
0xa4: {  	s25 =	simm.s32 $0x1B8E;
	s24 =	sld [smem:$0x3FFE];
	[sflag:s23] =	ssyncadd.s32 $0xFFFFFFFF  }
0xa5: {  	s26 =	simm.s32 $execute0_lowered;
	[smem:$0x3FD2] =	sst s25  }
0xa6: {  	s5 =	sshll.u32 s26, $0x1;
	_ =	strace $0x80000046;
	[dreg:$0x1] =	wrdreg $0xFFFFFFFF  }
0xa7: {  	s28 =	simm.s32 $_size_execute0_lowered;
	s3 =	sadd.s32 s3, s5;
	[dreg:$0x0] =	wrdreg $0x0  }
0xa8: {  	s5 =	sshll.u32 s28, $0x1;
	[dreg:$0x2] =	wrdreg s3  }
0xa9: {  	[dreg:$0x3] =	wrdreg s5  }
0xaa: {  	[dreg:$0x4] =	wrdreg $0xC0  }
0xab: {  	_ =	task [dreg:s7], $0x5FFFF  }
0xac: {  	[dreg:$0x1] =	wrdreg $0xFFFFFFFF  }
0xad: {  	[dreg:$0x0] =	wrdreg $0x60  }
0xae: {  	[dreg:$0x2] =	wrdreg s24  }
0xaf: {  	[dreg:$0x3] =	wrdreg s2  }
0xb0: {  	[dreg:$0x4] =	wrdreg $0x9  }
0xb1: {  	_ =	task.clear_ibuf [dreg:s7], $0x5FFFF;
	_ =	strace $0x90000046  }
0xb2: {  	s29 =	simm.s32 $0x9;
	_ =	strace $0x80000048  }
0xb3: {  	_ =	swait.ge [sflag:s29], $0x1  }
0xb4: {  	[sflag:s29] =	ssyncadd.s32 $0xFFFFFFFF  }
0xb5: {  	_ =	strace $0x90000048  }
0xb6: {  	_ =	sfence  }
0xb7: {  	s30 =	sld [smem:$0x0];
	_ =	sdelay $0x2  }
0xb8: {  	s31 =	sshll.u32 s1, $0xD;
	s1 =	sshrl.u32 s1, $0x2  }
0xb9: {  	s3 =	sand.u32 $0x4000, s31;
	s1 =	sadd.s32 s1, s30  }
0xba: {  	s0 =	sor.u32 s3, s0;
	s1 =	sshll.u32 s1, $0x11  }
0xbb: {  	s0 =	sor.u32 s1, s0  }
0xbc: {  	s0 =	sadd.s32 $0x8F2B, s0  }
0xbd: {  	[sflag:s0] =	ssyncadd.remote.s32 $0x1  }
0xbe: {  	_ =	sfence.sel $0xFFFF  }
0xbf: {  	[dreg:$0x0] =	wrdreg $0xFFFFFFFF;
	(pc) =	sbr.abs _section_cstart, $3  }
0xc0: {  	[dreg:$0x1] =	wrdreg $0xFFFFFFFF  }
0xc1: {  	_ =	task.clear_ibuf [dreg:s7], $0x2FFFF;
	_ =	strace $0x9FFFFFFF  }
0xc2: {  	(tm) =	ssettm $0x7FFFFFFF  }
0xc3: {  	_ =	shalt  }
tec
execute0_lowered:
.L_overlay_start_1:
0x0: {  	(tag) =	ssettag $0x1  }
0x1: {  	s0 =	rddreg [dreg:$0x0];
	s1 =	srdreg.scid  }
0x2: {  	s12 =	stileid.u32;
	s5 =	rddreg [dreg:$0x1]  }
0x3: {  	s2 =	simm.s32 $0x0;
	s31 =	simm.s32 $0x14000;
	s29 =	simm.s32 $0x1  }
0x4: {  	s30 =	simm.s32 $0x14A00;
	s1 =	sand.u32 $0x1, s1;
	s3 =	sshll.u32 s12, $0x1  }
0x5: {  	[smem:$0x7FF] =	sst s2;
	s8 =	sadd.s32 $0xA400, s0;
	s12 =	sshrl.u32 s12, $0x3  }
0x6: {  	s6 =	sor.u32 s1, s3;
	_ =	strace $0x80000047;
	s19 =	smul.u32 $0x27100, s12  }
0x7: {  	s1 =	ssub.s32 $0x2, s1;
	s12 =	smul.u32 $0x138800, s12;
	s7 =	sand.u32 $0xF, s6  }
0x8: {  	s3 =	sadd.s32 $0x600, s0;
	s9 =	sshrl.u32 s1, $0x1;
	s4 =	smul.u32 $0x14000, s7  }
0x9: {  	p0 =	sgt.u32 s6, $0x18;
	p1 =	slt.u32 s6, $0x19;
	s10 =	smul.u32 $0x2800, s7  }
0xa: {  	s1 =	ssub.s32 s1, s9;
	s22 =	sshrl.u32 s19, $0x3;
	s23 =	smul.u32 $0x4E200, s7  }
0xb: {  	s14 =	sadd.s32 $0x500, s19;
	s7 =	smul.u32 $0x271000, s7;
	s24 =	sadd.s32 s5, s19  }
0xc: {  	s19 =	sadd.s32 $0xA00, s19;
	s26 =	smax.u32 s1, $0x1;
	s1 =	simm.s32 $0x3  }
0xd: {  	s11 =	sshrl.u32 s4, $0x3;
	s13 =	sadd.s32 s8, s10;
	[dreg:$0xc] =	wrdreg s26  }
0xe: {  	s15 =	sadd.s32 s8, s11;
	[dreg:$0x3] =	wrdreg s13;
	s28 =	sadd.s32 $0x500, s13  }
0xf: {  	s4 =	sadd.s32 $0x32400, s0;
	s16 =	sadd.s32 $0xA00, s15;
	[dreg:$0xd] =	wrdreg s28  }
0x10: {  	s25 =	sadd.s32 s7, s12;
	s17 =	sadd.s32 $0xF00, s15;
	[dreg:$0x4] =	wrdreg s16  }
0x11: {  	s7 =	simm.s32 $0x17200;
	s18 =	sadd.s32 $0x1400, s15;
	[dreg:$0x5] =	wrdreg s17  }
0x12: {  	s11 =	smul.u32 $0x3200, s6;
	s20 =	sadd.s32 $0x1900, s15;
	[dreg:$0x6] =	wrdreg s18  }
0x13: {  	s6 =	simm.s32 $0x2;
	s21 =	sadd.s32 $0x1E00, s15;
	[dreg:$0x7] =	wrdreg s20  }
0x14: {  	s8 =	simm.s32 $0x4;
	s9 =	sadd.s32 $0x2300, s15;
	[dreg:$0x8] =	wrdreg s21  }
0x15: {  	s15 =	sadd.s32 $0x80600, s0;
	[dreg:$0x9] =	wrdreg s9;
	s9 =	sadd.s32 s3, s22  }
0x16: {  	s16 =	sadd.s32 $0x32680, s0;
	s17 =	sadd.s32 $0x80880, s0;
	s18 =	sadd.s32 s23, s24  }
0x17: {  	s20 =	sadd.s32 $0x530200, s5;
	s0 =	sshrl.u32 s25, $0x3;
	s21 =	sadd.s32 $0x4E2280, s5  }
0x18: {  	s22 =	sadd.s32 s5, s23;
	s23 =	sadd.s32 $0x4E2000, s5;
	s0 =	sadd.s32 s5, s0  }
0x19: {  	s24 =	sadd.s32 $0x530480, s5;
	[dreg:$0xa] =	wrdreg s9;
	s0 =	sadd.s32 $0x26C00, s0  }
0x1a: {  	s9 =	simm.s32 $0x0;
	[dreg:$0xb] =	wrdreg s0;
	s0 =	simm.s32 $0x14500  }
.LBB2_1:
0x1b: {  	s5 =	rddreg [dreg:$0x3]  }
0x1c: {  	[tilespmem:s2], [sflag:$0x3] =	stream.linear.gather [hbm4b:s5+s2], $0x2800, $0x38;
	[tilespmem:$0x1EA00] =	vst v63  }
0x1d: {  	s25 =	rddreg [dreg:$0xd];
	s10 =	simm.s32 $0x2800  }
0x1e: {  	[tilespmem:s10], [sflag:$0x3] =	stream.linear.gather [hbm4b:s25+s2], $0x2800, $0x38;
	[tilespmem:$0x1EA00] =	vst v63  }
0x1f: {  	s26 =	rddreg [dreg:$0x4];
	s28 =	simm.s32 $0x5000  }
0x20: {  	[tilespmem:s28], [sflag:$0x3] =	stream.linear.gather [hbm4b:s26+s2], $0x2800, $0x38;
	[tilespmem:$0x1EA00] =	vst v63  }
0x21: {  	s12 =	simm.s32 $0x7800;
	s10 =	rddreg [dreg:$0x5]  }
0x22: {  	[tilespmem:s12], [sflag:$0x3] =	stream.linear.gather [hbm4b:s10+s2], $0x2800, $0x38;
	[tilespmem:$0x1EA00] =	vst v63  }
0x23: {  	s13 =	rddreg [dreg:$0x6];
	s25 =	simm.s32 $0xA000  }
0x24: {  	[tilespmem:s25], [sflag:$0x3] =	stream.linear.gather [hbm4b:s13+s2], $0x2800, $0x38;
	[tilespmem:$0x1EA00] =	vst v63  }
0x25: {  	s26 =	rddreg [dreg:$0x7];
	s28 =	simm.s32 $0xC800  }
0x26: {  	[tilespmem:s28], [sflag:$0x3] =	stream.linear.gather [hbm4b:s26+s2], $0x2800, $0x38;
	[tilespmem:$0x1EA00] =	vst v63  }
0x27: {  	s12 =	rddreg [dreg:$0x8];
	s13 =	simm.s32 $0xF000  }
0x28: {  	[tilespmem:s13], [sflag:$0x3] =	stream.linear.gather [hbm4b:s12+s2], $0x2800, $0x38;
	[tilespmem:$0x1EA00] =	vst v63  }
0x29: {  	s25 =	rddreg [dreg:$0x9];
	s26 =	simm.s32 $0x11800  }
0x2a: {  	[tilespmem:s26], [sflag:$0x3] =	stream.linear.gather [hbm4b:s25+s2], $0x2800, $0x38;
	[tilespmem:$0x1EA00] =	vst v63  }
0x2b: {  	s28 =	rddreg [dreg:$0xa]  }
0x2c: {  	[tilespmem:s31], [sflag:$0x1] =	stream.linear.gather [hbm4b:s28+s2], $0x500, $0x38;
	[tilespmem:$0x1EA00] =	vst v63  }
0x2d: {  	_ =	swait.ge [sflag:s1], $0x2800  }
0x2e: {  	[sflag:s1] =	ssyncset.done $0x0  }
0x2f: {  	[sflag:s1] =	ssyncadd.s32 $0xFFFFD800  }
0x30: {  	_ =	swait.ge [sflag:s1], $0x2800  }
0x31: {  	[sflag:s1] =	ssyncset.done $0x0  }
0x32: {  	[sflag:s1] =	ssyncadd.s32 $0xFFFFD800  }
0x33: {  	_ =	swait.ge [sflag:s1], $0x2800  }
0x34: {  	[sflag:s1] =	ssyncset.done $0x0  }
0x35: {  	[sflag:s1] =	ssyncadd.s32 $0xFFFFD800  }
0x36: {  	_ =	swait.ge [sflag:s1], $0x2800  }
0x37: {  	[sflag:s1] =	ssyncset.done $0x0  }
0x38: {  	[sflag:s1] =	ssyncadd.s32 $0xFFFFD800  }
0x39: {  	_ =	swait.ge [sflag:s1], $0x2800  }
0x3a: {  	[sflag:s1] =	ssyncset.done $0x0  }
0x3b: {  	[sflag:s1] =	ssyncadd.s32 $0xFFFFD800  }
0x3c: {  	_ =	swait.ge [sflag:s1], $0x2800  }
0x3d: {  	[sflag:s1] =	ssyncset.done $0x0  }
0x3e: {  	[sflag:s1] =	ssyncadd.s32 $0xFFFFD800  }
0x3f: {  	_ =	swait.ge [sflag:s1], $0x2800  }
0x40: {  	[sflag:s1] =	ssyncset.done $0x0  }
0x41: {  	[sflag:s1] =	ssyncadd.s32 $0xFFFFD800  }
0x42: {  	_ =	swait.ge [sflag:s1], $0x2800  }
0x43: {  	[sflag:s1] =	ssyncset.done $0x0  }
0x44: {  	s10 =	simm.s32 $0x0;
	[sflag:s1] =	ssyncadd.s32 $0xFFFFD800  }
.LBB2_2:
0x45: {  	s25 =	smul.u32 $0xA00, s10;
	_ =	sdelay $0x1  }
0x46: {  	s12 =	sadd.s32 s25, s14  }
0x47: {  	s5 =	sshrl.u32 s12, $0x3  }
0x48: {  	s5 =	sadd.s32 s3, s5  }
0x49: {  	[tilespmem:s0], [sflag:$0x2] =	stream.linear.gather [hbm4b:s5+s2], $0x500, $0x38;
	[tilespmem:$0x1EA00] =	vst v63  }
0x4a: {  	s5 =	sadd.s32 $0xFFFFFFFF, s10  }
0x4b: {  	p2 =	sgt.u32 @!p0 s5, $0x9  }
0x4c: {  	p3 =	por p2, p0  }
0x4d: {  	s5 =	simm.s32 @!p3 $0x6  }
0x4e: {  	_ =	swait.ge @!p3 [sflag:s5], $0x1400  }
0x4f: {  	[sflag:s5] =	ssyncset.done @!p3 $0x0  }
0x50: {  	[sflag:s5] =	ssyncadd.s32 @!p3 $0xFFFFEC00  }
0x51: {  	_ =	swait.ge @!p3 [sflag:s5], $0x1400  }
0x52: {  	[sflag:s5] =	ssyncset.done @!p3 $0x0  }
0x53: {  	p6 =	slt.u32 s10, $0xA;
	[sflag:s5] =	ssyncadd.s32 @!p3 $0xFFFFEC00  }
0x54: {  	p2 =	por !p1, !p6;
	_ =	swait.ge @!p3 [sflag:s5], $0x1400  }
0x55: {  	p2 =	por !p2, !p2;
	[sflag:s5] =	ssyncset.done @!p3 $0x0  }
0x56: {  	s13 =	smul.u32 @p2 $0x500, s10;
	[sflag:s5] =	ssyncadd.s32 @!p3 $0xFFFFEC00  }
0x57: {  	_ =	swait.ge @!p3 [sflag:s5], $0x1400  }
0x58: {  	s26 =	simm.s32 @p2 $0x0;
	s13 =	sadd.s32 @p2 s11, s13;
	[sflag:s5] =	ssyncset.done @!p3 $0x0  }
0x59: {  	s28 =	simm.s32 @p2 $0x19A00;
	[sflag:s5] =	ssyncadd.s32 @!p3 $0xFFFFEC00;
	s5 =	sadd.s32 @p2 s4, s13  }
0x5a: {  	[tilespmem:s28], [sflag:$0x5] =	stream.linear.gather @p2 [hbm4b:s5+s26], $0x1400, $0x38;
	[tilespmem:$0x1EA00] =	vst v63  }
0x5b: {  	s5 =	sadd.s32 @p2 s13, s15;
	s28 =	simm.s32 @p2 $0x1AE00  }
0x5c: {  	[tilespmem:s28], [sflag:$0x5] =	stream.linear.gather @p2 [hbm4b:s5+s26], $0x1400, $0x38;
	[tilespmem:$0x1EA00] =	vst v63  }
0x5d: {  	s5 =	sadd.s32 @p2 s13, s16;
	s28 =	simm.s32 @p2 $0x1C200  }
0x5e: {  	[tilespmem:s28], [sflag:$0x5] =	stream.linear.gather @p2 [hbm4b:s5+s26], $0x1400, $0x38;
	[tilespmem:$0x1EA00] =	vst v63  }
0x5f: {  	s5 =	sadd.s32 @p2 s13, s17;
	s28 =	simm.s32 @p2 $0x1D600  }
0x60: {  	[tilespmem:s28], [sflag:$0x5] =	stream.linear.gather @p2 [hbm4b:s5+s26], $0x1400, $0x38;
	[tilespmem:$0x1EA00] =	vst v63  }
0x61: {  	_ =	swait.ge [sflag:s29], $0x500  }
0x62: {  	p3 =	seq.s32 s10, $0x0;
	[sflag:s29] =	ssyncset.done $0x0  }
0x63: {  	s5 =	simm.s32 @!p3 $0x3;
	[sflag:s29] =	ssyncadd.s32 $0xFFFFFB00  }
0x64: {  	_ =	swait.ge @!p3 [sflag:s5], $0x2800  }
0x65: {  	[sflag:s5] =	ssyncset.done @!p3 $0x0  }
0x66: {  	s26 =	simm.s32 $0x14040;
	[sflag:s5] =	ssyncadd.s32 @!p3 $0xFFFFD800  }
0x67: {  	v7 =	vld [tilespmem:s26+$0x30]  }
0x68: {  	v5 =	vld [tilespmem:s26+$0xFFFFFFD0]  }
0x69: {  	v4 =	vld [tilespmem:s26+$0xFFFFFFE0]  }
0x6a: {  	v3 =	vld [tilespmem:s26+$0xFFFFFFF0]  }
0x6b: {  	v2 =	vld [tilespmem:s26+$0x0]  }
0x6c: {  	v1 =	vld [tilespmem:s26+$0x10]  }
0x6d: {  	v0 =	vld [tilespmem:s26+$0x20]  }
0x6e: {  	v6 =	vld [tilespmem:s26+$0xFFFFFFC0]  }
0x6f: {  	v8 =	vld.idx.msk [tilespmem:v7+s2+$0x0], $0xffff  }
0x70: {  	v9 =	vld.idx.msk [tilespmem:v5+s2+$0x0], $0xffff  }
0x71: {  	v10 =	vld.idx.msk [tilespmem:v4+s2+$0x0], $0xffff  }
0x72: {  	v11 =	vadd.s32 $0x2800, v7;
	v12 =	vld.idx.msk [tilespmem:v3+s2+$0x0], $0xffff  }
0x73: {  	v13 =	vadd.s32 $0x2800, v5;
	v14 =	vld.idx.msk [tilespmem:v2+s2+$0x0], $0xffff  }
0x74: {  	s26 =	simm.s32 $0x14C00;
	v15 =	vadd.s32 $0x2800, v4;
	v16 =	vld.idx.msk [tilespmem:v1+s2+$0x0], $0xffff  }
0x75: {  	v17 =	vadd.s32 $0x2800, v3;
	v18 =	vld.idx.msk [tilespmem:v0+s2+$0x0], $0xffff;
	[tilespmem:s26+$0xFFFFFE70] =	vst v8  }
0x76: {  	v55 =	vadd.s32 $0x2800, v1;
	v19 =	vld.idx.msk [tilespmem:v6+s2+$0x0], $0xffff;
	[tilespmem:s26+$0xFFFFFE10] =	vst v9  }
0x77: {  	v58 =	vadd.s32 $0x2800, v6;
	[tilespmem:s26+$0xFFFFFE20] =	vst v10;
	v54 =	vld.idx.msk [tilespmem:v11+s2+$0x0], $0xffff  }
0x78: {  	v59 =	vadd.s32 $0x2800, v0;
	[tilespmem:s26+$0xFFFFFE30] =	vst v12;
	v56 =	vld.idx.msk [tilespmem:v13+s2+$0x0], $0xffff  }
0x79: {  	v8 =	vadd.s32 $0x2800, v2;
	[tilespmem:s26+$0xFFFFFE40] =	vst v14;
	v15 =	vld.idx.msk [tilespmem:v15+s2+$0x0], $0xffff  }
0x7a: {  	v57 =	vadd.s32 $0x5000, v7;
	[tilespmem:s26+$0xFFFFFE50] =	vst v16;
	v17 =	vld.idx.msk [tilespmem:v17+s2+$0x0], $0xffff  }
0x7b: {  	v60 =	vadd.s32 $0x5000, v5;
	[tilespmem:s26+$0xFFFFFE00] =	vst v19;
	v11 =	vld.idx.msk [tilespmem:v55+s2+$0x0], $0xffff  }
0x7c: {  	v61 =	vadd.s32 $0x5000, v4;
	[tilespmem:s26+$0xFFFFFE60] =	vst v18;
	v13 =	vld.idx.msk [tilespmem:v58+s2+$0x0], $0xffff  }
0x7d: {  	v62 =	vadd.s32 $0x5000, v3;
	v21 =	vld.idx.msk [tilespmem:v59+s2+$0x0], $0xffff;
	[tilespmem:s26+$0xFFFFFEF0] =	vst v54  }
0x7e: {  	v23 =	vadd.s32 $0x5000, v6;
	v8 =	vld.idx.msk [tilespmem:v8+s2+$0x0], $0xffff;
	[tilespmem:s26+$0xFFFFFE90] =	vst v56  }
0x7f: {  	v24 =	vadd.s32 $0x5000, v1;
	[tilespmem:s26+$0xFFFFFEA0] =	vst v15;
	v12 =	vld.idx.msk [tilespmem:v57+s2+$0x0], $0xffff  }
0x80: {  	v63 =	vadd.s32 $0x5000, v2;
	[tilespmem:s26+$0xFFFFFEB0] =	vst v17;
	v16 =	vld.idx.msk [tilespmem:v60+s2+$0x0], $0xffff  }
0x81: {  	v22 =	vadd.s32 $0x7800, v7;
	[tilespmem:s26+$0xFFFFFED0] =	vst v11;
	v18 =	vld.idx.msk [tilespmem:v61+s2+$0x0], $0xffff  }
0x82: {  	v25 =	vadd.s32 $0x7800, v5;
	[tilespmem:s26+$0xFFFFFE80] =	vst v13;
	v9 =	vld.idx.msk [tilespmem:v62+s2+$0x0], $0xffff  }
0x83: {  	v26 =	vadd.s32 $0x7800, v4;
	[tilespmem:s26+$0xFFFFFEE0] =	vst v21;
	v15 =	vld.idx.msk [tilespmem:v23+s2+$0x0], $0xffff  }
0x84: {  	v28 =	vadd.s32 $0x7800, v3;
	v29 =	vld.idx.msk [tilespmem:v24+s2+$0x0], $0xffff;
	[tilespmem:s26+$0xFFFFFEC0] =	vst v8  }
0x85: {  	v31 =	vadd.s32 $0x7800, v6;
	v19 =	vld.idx.msk [tilespmem:v63+s2+$0x0], $0xffff;
	[tilespmem:s26+$0xFFFFFF70] =	vst v12  }
0x86: {  	v33 =	vadd.s32 $0x7800, v1;
	[tilespmem:s26+$0xFFFFFF10] =	vst v16;
	v27 =	vld.idx.msk [tilespmem:v22+s2+$0x0], $0xffff  }
0x87: {  	v8 =	vadd.s32 $0x5000, v0;
	[tilespmem:s26+$0xFFFFFF20] =	vst v18;
	v11 =	vld.idx.msk [tilespmem:v25+s2+$0x0], $0xffff  }
0x88: {  	v32 =	vadd.s32 $0x7800, v2;
	[tilespmem:s26+$0xFFFFFF30] =	vst v9;
	v12 =	vld.idx.msk [tilespmem:v26+s2+$0x0], $0xffff  }
0x89: {  	v30 =	vadd.s32 $0xA000, v7;
	[tilespmem:s26+$0xFFFFFF00] =	vst v15;
	v14 =	vld.idx.msk [tilespmem:v28+s2+$0x0], $0xffff  }
0x8a: {  	v35 =	vadd.s32 $0xA000, v5;
	[tilespmem:s26+$0xFFFFFF50] =	vst v29;
	v17 =	vld.idx.msk [tilespmem:v31+s2+$0x0], $0xffff  }
0x8b: {  	v37 =	vadd.s32 $0xA000, v4;
	v9 =	vld.idx.msk [tilespmem:v33+s2+$0x0], $0xffff;
	[tilespmem:s26+$0xFFFFFF40] =	vst v19  }
0x8c: {  	v39 =	vadd.s32 $0xA000, v6;
	v8 =	vld.idx.msk [tilespmem:v8+s2+$0x0], $0xffff;
	[tilespmem:s26+$0xFFFFFFF0] =	vst v27  }
0x8d: {  	v40 =	vadd.s32 $0xA000, v3;
	v38 =	vld.idx.msk [tilespmem:v32+s2+$0x0], $0xffff;
	[tilespmem:s26+$0xFFFFFF90] =	vst v11  }
0x8e: {  	v43 =	vadd.s32 $0xA000, v1;
	[tilespmem:s26+$0xFFFFFFA0] =	vst v12;
	v36 =	vld.idx.msk [tilespmem:v30+s2+$0x0], $0xffff  }
0x8f: {  	v34 =	vadd.s32 $0x7800, v0;
	[tilespmem:s26+$0xFFFFFFB0] =	vst v14;
	v13 =	vld.idx.msk [tilespmem:v35+s2+$0x0], $0xffff  }
0x90: {  	v42 =	vadd.s32 $0xA000, v2;
	[tilespmem:s26+$0xFFFFFF80] =	vst v17;
	v16 =	vld.idx.msk [tilespmem:v37+s2+$0x0], $0xffff  }
0x91: {  	v18 =	vld.idx.msk [tilespmem:v39+s2+$0x0], $0xffff;
	[tilespmem:s26+$0xFFFFFF60] =	vst v8;
	v8 =	vadd.s32 $0xC800, v7  }
0x92: {  	v45 =	vadd.s32 $0xC800, v5;
	[tilespmem:s26+$0xFFFFFFD0] =	vst v9;
	v46 =	vld.idx.msk [tilespmem:v40+s2+$0x0], $0xffff  }
0x93: {  	v48 =	vadd.s32 $0xC800, v6;
	v50 =	vld.idx.msk [tilespmem:v43+s2+$0x0], $0xffff;
	[tilespmem:s26+$0xFFFFFFC0] =	vst v38  }
0x94: {  	v49 =	vadd.s32 $0xC800, v4;
	v41 =	vld.idx.msk [tilespmem:v34+s2+$0x0], $0xffff;
	[tilespmem:s26+$0x70] =	vst v36  }
0x95: {  	v44 =	vadd.s32 $0xA000, v0;
	v19 =	vld.idx.msk [tilespmem:v42+s2+$0x0], $0xffff;
	[tilespmem:s26+$0x10] =	vst v13  }
0x96: {  	v51 =	vadd.s32 $0xC800, v3;
	[tilespmem:s26+$0x20] =	vst v16;
	v8 =	vld.idx.msk [tilespmem:v8+s2+$0x0], $0xffff  }
0x97: {  	v47 =	vadd.s32 $0xF000, v7;
	[tilespmem:s26+$0x0] =	vst v18;
	v17 =	vld.idx.msk [tilespmem:v45+s2+$0x0], $0xffff  }
0x98: {  	v52 =	vadd.s32 $0xC800, v2;
	[tilespmem:s26+$0x30] =	vst v46;
	v11 =	vld.idx.msk [tilespmem:v48+s2+$0x0], $0xffff  }
0x99: {  	v55 =	vadd.s32 $0xF000, v6;
	v54 =	vld.idx.msk [tilespmem:v49+s2+$0x0], $0xffff;
	[tilespmem:s26+$0xFFFFFFE0] =	vst v41  }
0x9a: {  	v56 =	vadd.s32 $0xF000, v5;
	[tilespmem:s26+$0x50] =	vst v50;
	v15 =	vld.idx.msk [tilespmem:v44+s2+$0x0], $0xffff  }
0x9b: {  	v53 =	vadd.s32 $0xC800, v0;
	v14 =	vld.idx.msk [tilespmem:v51+s2+$0x0], $0xffff;
	[tilespmem:s26+$0xF0] =	vst v8  }
0x9c: {  	[tilespmem:s26+$0x40] =	vst v19;
	v8 =	vadd.s32 $0xC800, v1;
	v9 =	vld.idx.msk [tilespmem:v47+s2+$0x0], $0xffff  }
0x9d: {  	v7 =	vadd.s32 $0x11800, v7;
	v16 =	vld.idx.msk [tilespmem:v52+s2+$0x0], $0xffff;
	[tilespmem:s26+$0x80] =	vst v11  }
0x9e: {  	v57 =	vadd.s32 $0xF000, v4;
	[tilespmem:s26+$0x90] =	vst v17;
	v12 =	vld.idx.msk [tilespmem:v55+s2+$0x0], $0xffff  }
0x9f: {  	v58 =	vadd.s32 $0xF000, v3;
	v13 =	vld.idx.msk [tilespmem:v56+s2+$0x0], $0xffff;
	[tilespmem:s26+$0x60] =	vst v15  }
0xa0: {  	v59 =	vadd.s32 $0xF000, v2;
	[tilespmem:s26+$0xA0] =	vst v54;
	v18 =	vld.idx.msk [tilespmem:v53+s2+$0x0], $0xffff  }
0xa1: {  	v6 =	vadd.s32 $0x11800, v6;
	v8 =	vld.idx.msk [tilespmem:v8+s2+$0x0], $0xffff;
	[tilespmem:s26+$0x170] =	vst v9  }
0xa2: {  	v60 =	vadd.s32 $0xF000, v1;
	[tilespmem:s26+$0xB0] =	vst v14;
	v7 =	vld.idx.msk [tilespmem:v7+s2+$0x0], $0xffff  }
0xa3: {  	v61 =	vadd.s32 $0xF000, v0;
	v62 =	vld.idx.msk [tilespmem:v57+s2+$0x0], $0xffff;
	[tilespmem:s26+$0xC0] =	vst v16  }
0xa4: {  	v5 =	vadd.s32 $0x11800, v5;
	v63 =	vld.idx.msk [tilespmem:v58+s2+$0x0], $0xffff;
	[tilespmem:s26+$0x100] =	vst v12  }
0xa5: {  	v3 =	vadd.s32 $0x11800, v3;
	v9 =	vld.idx.msk [tilespmem:v59+s2+$0x0], $0xffff;
	[tilespmem:s26+$0xE0] =	vst v18  }
0xa6: {  	v12 =	vld.idx.msk [tilespmem:v6+s2+$0x0], $0xffff;
	[tilespmem:s26+$0xD0] =	vst v8;
	v8 =	vadd.s32 $0x11800, v4  }
0xa7: {  	v11 =	vld.idx.msk [tilespmem:v60+s2+$0x0], $0xffff;
	[tilespmem:s26+$0x1F0] =	vst v7;
	v7 =	vadd.s32 $0x11800, v2  }
0xa8: {  	v1 =	vadd.s32 $0x11800, v1;
	[tilespmem:s26+$0x110] =	vst v13;
	v10 =	vld.idx.msk [tilespmem:v61+s2+$0x0], $0xffff  }
0xa9: {  	v0 =	vadd.s32 $0x11800, v0;
	[tilespmem:s26+$0x130] =	vst v63;
	v4 =	vld.idx.msk [tilespmem:v5+s2+$0x0], $0xffff  }
0xaa: {  	[tilespmem:s26+$0x120] =	vst v62;
	v2 =	vld.idx.msk [tilespmem:v3+s2+$0x0], $0xffff  }
0xab: {  	[tilespmem:s26+$0x140] =	vst v9;
	v5 =	vld.idx.msk [tilespmem:v8+s2+$0x0], $0xffff  }
0xac: {  	[tilespmem:s26+$0x150] =	vst v11;
	v6 =	vld.idx.msk [tilespmem:v7+s2+$0x0], $0xffff  }
0xad: {  	[tilespmem:s26+$0x160] =	vst v10;
	v3 =	vld.idx.msk [tilespmem:v1+s2+$0x0], $0xffff  }
0xae: {  	s28 =	simm.s32 $0x0;
	s5 =	simm.s32 $0x140C0;
	[tilespmem:s26+$0x180] =	vst v12;
	v1 =	vld.idx.msk [tilespmem:v0+s2+$0x0], $0xffff  }
.LBB2_3:
0xaf: {  	v0 =	vld [tilespmem:s5+$0x30];
	s28 =	sadd.s32 $0x8, s28;
	[tilespmem:s26+$0x190] =	vst v4  }
0xb0: {  	v7 =	vld [tilespmem:s5+$0xFFFFFFD0];
	p4 =	slt.u32 s28, $0x48;
	[tilespmem:s26+$0x1A0] =	vst v5  }
0xb1: {  	v5 =	vld [tilespmem:s5+$0xFFFFFFE0];
	[tilespmem:s26+$0x1B0] =	vst v2  }
0xb2: {  	v2 =	vld [tilespmem:s5+$0xFFFFFFF0];
	[tilespmem:s26+$0x1C0] =	vst v6  }
0xb3: {  	v6 =	vld [tilespmem:s5+$0x0];
	[tilespmem:s26+$0x1D0] =	vst v3  }
0xb4: {  	v3 =	vld [tilespmem:s5+$0x10];
	[tilespmem:s26+$0x1E0] =	vst v1  }
0xb5: {  	v1 =	vadd.s32 $0x2800, v7;
	v21 =	vadd.s32 $0x5000, v7;
	v22 =	vadd.s32 $0x7800, v7;
	v23 =	vld [tilespmem:s5+$0x20]  }
0xb6: {  	v4 =	vld [tilespmem:s5+$0xFFFFFFC0];
	v8 =	vadd.s32 $0x2800, v5;
	v24 =	vadd.s32 $0x5000, v5;
	v25 =	vadd.s32 $0x7800, v5  }
0xb7: {  	v9 =	vadd.s32 $0x2800, v2;
	v26 =	vadd.s32 $0x5000, v2;
	v27 =	vadd.s32 $0x7800, v2;
	v10 =	vld.idx.msk [tilespmem:v0+s2+$0x0], $0xffff  }
0xb8: {  	v11 =	vld.idx.msk [tilespmem:v7+s2+$0x0], $0xffff;
	v12 =	vadd.s32 $0x2800, v6;
	v28 =	vadd.s32 $0x5000, v6;
	v29 =	vadd.s32 $0x7800, v6  }
0xb9: {  	v14 =	vadd.s32 $0x2800, v0;
	v13 =	vld.idx.msk [tilespmem:v5+s2+$0x0], $0xffff;
	v30 =	vadd.s32 $0x2800, v3;
	v31 =	vadd.s32 $0x5000, v3  }
0xba: {  	v32 =	vadd.s32 $0x7800, v3;
	v16 =	vld.idx.msk [tilespmem:v2+s2+$0x0], $0xffff;
	v33 =	vadd.s32 $0x2800, v23;
	v34 =	vadd.s32 $0x5000, v23  }
0xbb: {  	v35 =	vadd.s32 $0x2800, v4;
	v36 =	vadd.s32 $0x5000, v4;
	v37 =	vadd.s32 $0x7800, v4;
	v20 =	vld.idx.msk [tilespmem:v6+s2+$0x0], $0xffff  }
0xbc: {  	s26 =	sadd.s32 $0x400, s26;
	v39 =	vadd.s32 $0xA000, v7;
	v41 =	vadd.s32 $0x7800, v23;
	v38 =	vadd.s32 $0xA000, v4;
	v40 =	vld.idx.msk [tilespmem:v3+s2+$0x0], $0xffff  }
0xbd: {  	v42 =	vadd.s32 $0xA000, v5;
	v43 =	vadd.s32 $0xA000, v2;
	v44 =	vadd.s32 $0xA000, v6;
	v45 =	vld.idx.msk [tilespmem:v23+s2+$0x0], $0xffff;
	[tilespmem:s26+$0xFFFFFE70] =	vst v10  }
0xbe: {  	v46 =	vadd.s32 $0xA000, v3;
	v47 =	vadd.s32 $0xA000, v23;
	v15 =	vadd.s32 $0xC800, v4;
	[tilespmem:s26+$0xFFFFFE10] =	vst v11;
	v48 =	vld.idx.msk [tilespmem:v14+s2+$0x0], $0xffff  }
0xbf: {  	v50 =	vadd.s32 $0xC800, v7;
	v19 =	vadd.s32 $0xC800, v5;
	v17 =	vadd.s32 $0xC800, v2;
	v49 =	vld.idx.msk [tilespmem:v4+s2+$0x0], $0xffff;
	[tilespmem:s26+$0xFFFFFE20] =	vst v13  }
0xc0: {  	v52 =	vadd.s32 $0x5000, v0;
	v18 =	vadd.s32 $0xC800, v6;
	v51 =	vld.idx.msk [tilespmem:v1+s2+$0x0], $0xffff;
	[tilespmem:s26+$0xFFFFFE30] =	vst v16;
	v16 =	vadd.s32 $0xC800, v3  }
0xc1: {  	v10 =	vadd.s32 $0xF000, v7;
	v13 =	vadd.s32 $0xF000, v4;
	v53 =	vld.idx.msk [tilespmem:v8+s2+$0x0], $0xffff;
	[tilespmem:s26+$0xFFFFFE40] =	vst v20;
	v20 =	vadd.s32 $0xC800, v23  }
0xc2: {  	v14 =	vadd.s32 $0xF000, v5;
	v11 =	vadd.s32 $0xF000, v2;
	v8 =	vadd.s32 $0xF000, v6;
	v54 =	vld.idx.msk [tilespmem:v9+s2+$0x0], $0xffff;
	[tilespmem:s26+$0xFFFFFE50] =	vst v40  }
0xc3: {  	v4 =	vadd.s32 $0x11800, v4;
	v9 =	vadd.s32 $0xF000, v23;
	v40 =	vld.idx.msk [tilespmem:v12+s2+$0x0], $0xffff;
	v12 =	vadd.s32 $0xF000, v3;
	[tilespmem:s26+$0xFFFFFE60] =	vst v45  }
0xc4: {  	v7 =	vadd.s32 $0x11800, v7;
	v5 =	vadd.s32 $0x11800, v5;
	v2 =	vadd.s32 $0x11800, v2;
	v30 =	vld.idx.msk [tilespmem:v30+s2+$0x0], $0xffff;
	[tilespmem:s26+$0xFFFFFEF0] =	vst v48  }
0xc5: {  	v1 =	vadd.s32 $0x11800, v23;
	v6 =	vadd.s32 $0x11800, v6;
	v3 =	vadd.s32 $0x11800, v3;
	[tilespmem:s26+$0xFFFFFE00] =	vst v49;
	v23 =	vld.idx.msk [tilespmem:v52+s2+$0x0], $0xffff  }
0xc6: {  	v35 =	vld.idx.msk [tilespmem:v35+s2+$0x0], $0xffff;
	[tilespmem:s26+$0xFFFFFE90] =	vst v51  }
0xc7: {  	v45 =	vadd.s32 $0x7800, v0;
	[tilespmem:s26+$0xFFFFFEA0] =	vst v53;
	v33 =	vld.idx.msk [tilespmem:v33+s2+$0x0], $0xffff  }
0xc8: {  	v21 =	vld.idx.msk [tilespmem:v21+s2+$0x0], $0xffff;
	[tilespmem:s26+$0xFFFFFEB0] =	vst v54  }
0xc9: {  	v24 =	vld.idx.msk [tilespmem:v24+s2+$0x0], $0xffff;
	[tilespmem:s26+$0xFFFFFEC0] =	vst v40  }
0xca: {  	v26 =	vld.idx.msk [tilespmem:v26+s2+$0x0], $0xffff;
	[tilespmem:s26+$0xFFFFFED0] =	vst v30  }
0xcb: {  	v28 =	vld.idx.msk [tilespmem:v28+s2+$0x0], $0xffff;
	[tilespmem:s26+$0xFFFFFF70] =	vst v23  }
0xcc: {  	[tilespmem:s26+$0xFFFFFE80] =	vst v35;
	v23 =	vld.idx.msk [tilespmem:v45+s2+$0x0], $0xffff  }
0xcd: {  	v30 =	vld.idx.msk [tilespmem:v36+s2+$0x0], $0xffff;
	[tilespmem:s26+$0xFFFFFEE0] =	vst v33  }
0xce: {  	[tilespmem:s26+$0xFFFFFF10] =	vst v21;
	v21 =	vld.idx.msk [tilespmem:v31+s2+$0x0], $0xffff;
	v31 =	vadd.s32 $0xA000, v0  }
0xcf: {  	[tilespmem:s26+$0xFFFFFF20] =	vst v24;
	v24 =	vld.idx.msk [tilespmem:v34+s2+$0x0], $0xffff  }
0xd0: {  	v22 =	vld.idx.msk [tilespmem:v22+s2+$0x0], $0xffff;
	[tilespmem:s26+$0xFFFFFF30] =	vst v26  }
0xd1: {  	v25 =	vld.idx.msk [tilespmem:v25+s2+$0x0], $0xffff;
	[tilespmem:s26+$0xFFFFFF40] =	vst v28  }
0xd2: {  	v26 =	vld.idx.msk [tilespmem:v27+s2+$0x0], $0xffff;
	[tilespmem:s26+$0xFFFFFFF0] =	vst v23  }
0xd3: {  	[tilespmem:s26+$0xFFFFFF00] =	vst v30;
	v23 =	vld.idx.msk [tilespmem:v31+s2+$0x0], $0xffff  }
0xd4: {  	v27 =	vld.idx.msk [tilespmem:v37+s2+$0x0], $0xffff;
	[tilespmem:s26+$0xFFFFFF50] =	vst v21  }
0xd5: {  	v21 =	vld.idx.msk [tilespmem:v29+s2+$0x0], $0xffff;
	[tilespmem:s26+$0xFFFFFF60] =	vst v24;
	v24 =	vadd.s32 $0xC800, v0  }
0xd6: {  	[tilespmem:s26+$0xFFFFFF90] =	vst v22;
	v22 =	vld.idx.msk [tilespmem:v32+s2+$0x0], $0xffff  }
0xd7: {  	[tilespmem:s26+$0xFFFFFFA0] =	vst v25;
	v25 =	vld.idx.msk [tilespmem:v41+s2+$0x0], $0xffff  }
0xd8: {  	v28 =	vld.idx.msk [tilespmem:v39+s2+$0x0], $0xffff;
	[tilespmem:s26+$0xFFFFFFB0] =	vst v26  }
0xd9: {  	v26 =	vld.idx.msk [tilespmem:v42+s2+$0x0], $0xffff;
	[tilespmem:s26+$0x70] =	vst v23  }
0xda: {  	[tilespmem:s26+$0xFFFFFF80] =	vst v27;
	v23 =	vld.idx.msk [tilespmem:v24+s2+$0x0], $0xffff  }
0xdb: {  	v24 =	vld.idx.msk [tilespmem:v38+s2+$0x0], $0xffff;
	[tilespmem:s26+$0xFFFFFFC0] =	vst v21  }
0xdc: {  	v21 =	vld.idx.msk [tilespmem:v43+s2+$0x0], $0xffff;
	[tilespmem:s26+$0xFFFFFFD0] =	vst v22;
	v22 =	vadd.s32 $0xF000, v0  }
0xdd: {  	v27 =	vld.idx.msk [tilespmem:v44+s2+$0x0], $0xffff;
	[tilespmem:s26+$0xFFFFFFE0] =	vst v25  }
0xde: {  	[tilespmem:s26+$0x10] =	vst v28;
	v25 =	vld.idx.msk [tilespmem:v46+s2+$0x0], $0xffff  }
0xdf: {  	[tilespmem:s26+$0x20] =	vst v26;
	v26 =	vld.idx.msk [tilespmem:v47+s2+$0x0], $0xffff  }
0xe0: {  	v28 =	vld.idx.msk [tilespmem:v50+s2+$0x0], $0xffff;
	[tilespmem:s26+$0xF0] =	vst v23  }
0xe1: {  	[tilespmem:s26+$0x0] =	vst v24;
	v22 =	vld.idx.msk [tilespmem:v22+s2+$0x0], $0xffff  }
0xe2: {  	v15 =	vld.idx.msk [tilespmem:v15+s2+$0x0], $0xffff;
	[tilespmem:s26+$0x30] =	vst v21  }
0xe3: {  	v0 =	vadd.s32 $0x11800, v0;
	v19 =	vld.idx.msk [tilespmem:v19+s2+$0x0], $0xffff;
	[tilespmem:s26+$0x40] =	vst v27  }
0xe4: {  	v17 =	vld.idx.msk [tilespmem:v17+s2+$0x0], $0xffff;
	[tilespmem:s26+$0x50] =	vst v25  }
0xe5: {  	v18 =	vld.idx.msk [tilespmem:v18+s2+$0x0], $0xffff;
	[tilespmem:s26+$0x60] =	vst v26  }
0xe6: {  	[tilespmem:s26+$0x90] =	vst v28;
	v16 =	vld.idx.msk [tilespmem:v16+s2+$0x0], $0xffff  }
0xe7: {  	v20 =	vld.idx.msk [tilespmem:v20+s2+$0x0], $0xffff;
	[tilespmem:s26+$0x170] =	vst v22  }
0xe8: {  	[tilespmem:s26+$0x80] =	vst v15;
	v0 =	vld.idx.msk [tilespmem:v0+s2+$0x0], $0xffff  }
0xe9: {  	v13 =	vld.idx.msk [tilespmem:v13+s2+$0x0], $0xffff;
	[tilespmem:s26+$0xA0] =	vst v19  }
0xea: {  	v10 =	vld.idx.msk [tilespmem:v10+s2+$0x0], $0xffff;
	[tilespmem:s26+$0xB0] =	vst v17  }
0xeb: {  	v14 =	vld.idx.msk [tilespmem:v14+s2+$0x0], $0xffff;
	[tilespmem:s26+$0xC0] =	vst v18  }
0xec: {  	v11 =	vld.idx.msk [tilespmem:v11+s2+$0x0], $0xffff;
	[tilespmem:s26+$0xD0] =	vst v16  }
0xed: {  	v8 =	vld.idx.msk [tilespmem:v8+s2+$0x0], $0xffff;
	[tilespmem:s26+$0xE0] =	vst v20  }
0xee: {  	v12 =	vld.idx.msk [tilespmem:v12+s2+$0x0], $0xffff;
	[tilespmem:s26+$0x1F0] =	vst v0  }
0xef: {  	[tilespmem:s26+$0x100] =	vst v13;
	v0 =	vld.idx.msk [tilespmem:v9+s2+$0x0], $0xffff  }
0xf0: {  	v9 =	vld.idx.msk [tilespmem:v4+s2+$0x0], $0xffff;
	[tilespmem:s26+$0x110] =	vst v10  }
0xf1: {  	v4 =	vld.idx.msk [tilespmem:v7+s2+$0x0], $0xffff;
	[tilespmem:s26+$0x120] =	vst v14  }
.Ltmp0:
0xf2: {  	v5 =	vld.idx.msk [tilespmem:v5+s2+$0x0], $0xffff;
	[tilespmem:s26+$0x130] =	vst v11;
	(pc) =	sbr.rel @p4 .LBB2_3-.Ltmp0, $4  }
0xf3: {  	v2 =	vld.idx.msk [tilespmem:v2+s2+$0x0], $0xffff;
	[tilespmem:s26+$0x140] =	vst v8  }
0xf4: {  	v6 =	vld.idx.msk [tilespmem:v6+s2+$0x0], $0xffff;
	[tilespmem:s26+$0x150] =	vst v12  }
0xf5: {  	v3 =	vld.idx.msk [tilespmem:v3+s2+$0x0], $0xffff;
	[tilespmem:s26+$0x160] =	vst v0  }
0xf6: {  	s5 =	sadd.s32 $0x80, s5;
	[tilespmem:s26+$0x180] =	vst v9;
	v1 =	vld.idx.msk [tilespmem:v1+s2+$0x0], $0xffff  }
0xf7: {  	[tilespmem:s26+$0x190] =	vst v4  }
0xf8: {  	[tilespmem:s26+$0x1A0] =	vst v5  }
0xf9: {  	[tilespmem:s26+$0x1B0] =	vst v2  }
0xfa: {  	[tilespmem:s26+$0x1C0] =	vst v6  }
0xfb: {  	[tilespmem:s26+$0x1D0] =	vst v3  }
0xfc: {  	s5 =	sadd.s32 s25, s18;
	[tilespmem:s26+$0x1E0] =	vst v1;
	s26 =	sadd.s32 s25, s19  }
0xfd: {  	[hbm4b:s5+s2] =	stream.linear.scatter [tilespmem:s30], [sflag:$0x3], $0x2800, $0x38;
	[tilespmem:$0x1EA00] =	vst v63  }
0xfe: {  	s5 =	sshrl.u32 s26, $0x3  }
0xff: {  	s5 =	sadd.s32 s3, s5  }
0x100: {  	[tilespmem:s31], [sflag:$0x1] =	stream.linear.gather [hbm4b:s5+s2], $0x500, $0x38;
	[tilespmem:$0x1EA00] =	vst v63  }
0x101: {  	s5 =	simm.s32 @p2 $0x5  }
0x102: {  	_ =	swait.ge @p2 [sflag:s5], $0x1400  }
0x103: {  	[sflag:s5] =	ssyncset.done @p2 $0x0  }
0x104: {  	[sflag:s5] =	ssyncadd.s32 @p2 $0xFFFFEC00  }
0x105: {  	_ =	swait.ge @p2 [sflag:s5], $0x1400  }
0x106: {  	[sflag:s5] =	ssyncset.done @p2 $0x0  }
0x107: {  	[sflag:s5] =	ssyncadd.s32 @p2 $0xFFFFEC00  }
0x108: {  	_ =	swait.ge @p2 [sflag:s5], $0x1400  }
0x109: {  	[sflag:s5] =	ssyncset.done @p2 $0x0  }
0x10a: {  	[sflag:s5] =	ssyncadd.s32 @p2 $0xFFFFEC00  }
0x10b: {  	_ =	swait.ge @p2 [sflag:s5], $0x1400  }
0x10c: {  	s25 =	simm.s32 @p2 $0x0;
	[sflag:s5] =	ssyncset.done @p2 $0x0  }
0x10d: {  	s26 =	simm.s32 @p2 $0x19A00;
	[sflag:s5] =	ssyncadd.s32 @p2 $0xFFFFEC00;
	s5 =	sadd.s32 @p2 s13, s23  }
0x10e: {  	[hbm4b:s5+s25] =	stream.linear.scatter @p2 [tilespmem:s26], [sflag:$0x6], $0x1400, $0x38;
	[tilespmem:$0x1EA00] =	vst v63  }
0x10f: {  	s5 =	sadd.s32 @p2 s13, s20;
	s26 =	simm.s32 @p2 $0x1AE00  }
0x110: {  	[hbm4b:s5+s25] =	stream.linear.scatter @p2 [tilespmem:s26], [sflag:$0x6], $0x1400, $0x38;
	[tilespmem:$0x1EA00] =	vst v63  }
0x111: {  	s5 =	sadd.s32 @p2 s13, s21;
	s26 =	simm.s32 @p2 $0x1C200  }
0x112: {  	[hbm4b:s5+s25] =	stream.linear.scatter @p2 [tilespmem:s26], [sflag:$0x6], $0x1400, $0x38;
	[tilespmem:$0x1EA00] =	vst v63  }
0x113: {  	s5 =	sadd.s32 @p2 s13, s24;
	s13 =	simm.s32 @p2 $0x1D600  }
0x114: {  	[hbm4b:s5+s25] =	stream.linear.scatter @p2 [tilespmem:s13], [sflag:$0x6], $0x1400, $0x38;
	[tilespmem:$0x1EA00] =	vst v63  }
0x115: {  	_ =	swait.ge [sflag:s6], $0x500  }
0x116: {  	[sflag:s6] =	ssyncset.done $0x0  }
0x117: {  	s5 =	simm.s32 @!p3 $0x4;
	[sflag:s6] =	ssyncadd.s32 $0xFFFFFB00  }
0x118: {  	_ =	swait.ge @!p3 [sflag:s5], $0x2800  }
0x119: {  	[sflag:s5] =	ssyncset.done @!p3 $0x0  }
0x11a: {  	s28 =	simm.s32 $0x14540;
	[sflag:s5] =	ssyncadd.s32 @!p3 $0xFFFFD800  }
0x11b: {  	v7 =	vld [tilespmem:s28+$0x30]  }
0x11c: {  	v5 =	vld [tilespmem:s28+$0xFFFFFFD0]  }
0x11d: {  	v4 =	vld [tilespmem:s28+$0xFFFFFFE0]  }
0x11e: {  	v3 =	vld [tilespmem:s28+$0xFFFFFFF0]  }
0x11f: {  	v2 =	vld [tilespmem:s28+$0x0]  }
0x120: {  	v1 =	vld [tilespmem:s28+$0x10]  }
0x121: {  	v0 =	vld [tilespmem:s28+$0x20]  }
0x122: {  	v6 =	vld [tilespmem:s28+$0xFFFFFFC0]  }
0x123: {  	v8 =	vld.idx.msk [tilespmem:v7+s2+$0x0], $0xffff  }
0x124: {  	v9 =	vld.idx.msk [tilespmem:v5+s2+$0x0], $0xffff  }
0x125: {  	v10 =	vld.idx.msk [tilespmem:v4+s2+$0x0], $0xffff  }
0x126: {  	v11 =	vadd.s32 $0x2800, v7;
	v12 =	vld.idx.msk [tilespmem:v3+s2+$0x0], $0xffff  }
0x127: {  	v13 =	vadd.s32 $0x2800, v5;
	v14 =	vld.idx.msk [tilespmem:v2+s2+$0x0], $0xffff  }
0x128: {  	s13 =	simm.s32 $0x17400;
	v15 =	vadd.s32 $0x2800, v4;
	v16 =	vld.idx.msk [tilespmem:v1+s2+$0x0], $0xffff  }
0x129: {  	v17 =	vadd.s32 $0x2800, v3;
	v18 =	vld.idx.msk [tilespmem:v0+s2+$0x0], $0xffff;
	[tilespmem:s13+$0xFFFFFE70] =	vst v8  }
0x12a: {  	v55 =	vadd.s32 $0x2800, v1;
	v19 =	vld.idx.msk [tilespmem:v6+s2+$0x0], $0xffff;
	[tilespmem:s13+$0xFFFFFE10] =	vst v9  }
0x12b: {  	v58 =	vadd.s32 $0x2800, v6;
	[tilespmem:s13+$0xFFFFFE20] =	vst v10;
	v54 =	vld.idx.msk [tilespmem:v11+s2+$0x0], $0xffff  }
0x12c: {  	v59 =	vadd.s32 $0x2800, v0;
	[tilespmem:s13+$0xFFFFFE30] =	vst v12;
	v56 =	vld.idx.msk [tilespmem:v13+s2+$0x0], $0xffff  }
0x12d: {  	v8 =	vadd.s32 $0x2800, v2;
	[tilespmem:s13+$0xFFFFFE40] =	vst v14;
	v15 =	vld.idx.msk [tilespmem:v15+s2+$0x0], $0xffff  }
0x12e: {  	v57 =	vadd.s32 $0x5000, v7;
	[tilespmem:s13+$0xFFFFFE50] =	vst v16;
	v17 =	vld.idx.msk [tilespmem:v17+s2+$0x0], $0xffff  }
0x12f: {  	v60 =	vadd.s32 $0x5000, v5;
	[tilespmem:s13+$0xFFFFFE00] =	vst v19;
	v11 =	vld.idx.msk [tilespmem:v55+s2+$0x0], $0xffff  }
0x130: {  	v61 =	vadd.s32 $0x5000, v4;
	[tilespmem:s13+$0xFFFFFE60] =	vst v18;
	v13 =	vld.idx.msk [tilespmem:v58+s2+$0x0], $0xffff  }
0x131: {  	v62 =	vadd.s32 $0x5000, v3;
	v21 =	vld.idx.msk [tilespmem:v59+s2+$0x0], $0xffff;
	[tilespmem:s13+$0xFFFFFEF0] =	vst v54  }
0x132: {  	v23 =	vadd.s32 $0x5000, v6;
	v8 =	vld.idx.msk [tilespmem:v8+s2+$0x0], $0xffff;
	[tilespmem:s13+$0xFFFFFE90] =	vst v56  }
0x133: {  	v24 =	vadd.s32 $0x5000, v1;
	[tilespmem:s13+$0xFFFFFEA0] =	vst v15;
	v12 =	vld.idx.msk [tilespmem:v57+s2+$0x0], $0xffff  }
0x134: {  	v63 =	vadd.s32 $0x5000, v2;
	[tilespmem:s13+$0xFFFFFEB0] =	vst v17;
	v16 =	vld.idx.msk [tilespmem:v60+s2+$0x0], $0xffff  }
0x135: {  	v22 =	vadd.s32 $0x7800, v7;
	[tilespmem:s13+$0xFFFFFED0] =	vst v11;
	v18 =	vld.idx.msk [tilespmem:v61+s2+$0x0], $0xffff  }
0x136: {  	v25 =	vadd.s32 $0x7800, v5;
	[tilespmem:s13+$0xFFFFFE80] =	vst v13;
	v9 =	vld.idx.msk [tilespmem:v62+s2+$0x0], $0xffff  }
0x137: {  	v26 =	vadd.s32 $0x7800, v4;
	[tilespmem:s13+$0xFFFFFEE0] =	vst v21;
	v15 =	vld.idx.msk [tilespmem:v23+s2+$0x0], $0xffff  }
0x138: {  	v28 =	vadd.s32 $0x7800, v3;
	v29 =	vld.idx.msk [tilespmem:v24+s2+$0x0], $0xffff;
	[tilespmem:s13+$0xFFFFFEC0] =	vst v8  }
0x139: {  	v31 =	vadd.s32 $0x7800, v6;
	v19 =	vld.idx.msk [tilespmem:v63+s2+$0x0], $0xffff;
	[tilespmem:s13+$0xFFFFFF70] =	vst v12  }
0x13a: {  	v33 =	vadd.s32 $0x7800, v1;
	[tilespmem:s13+$0xFFFFFF10] =	vst v16;
	v27 =	vld.idx.msk [tilespmem:v22+s2+$0x0], $0xffff  }
0x13b: {  	v8 =	vadd.s32 $0x5000, v0;
	[tilespmem:s13+$0xFFFFFF20] =	vst v18;
	v11 =	vld.idx.msk [tilespmem:v25+s2+$0x0], $0xffff  }
0x13c: {  	v32 =	vadd.s32 $0x7800, v2;
	[tilespmem:s13+$0xFFFFFF30] =	vst v9;
	v12 =	vld.idx.msk [tilespmem:v26+s2+$0x0], $0xffff  }
0x13d: {  	v30 =	vadd.s32 $0xA000, v7;
	[tilespmem:s13+$0xFFFFFF00] =	vst v15;
	v14 =	vld.idx.msk [tilespmem:v28+s2+$0x0], $0xffff  }
0x13e: {  	v35 =	vadd.s32 $0xA000, v5;
	[tilespmem:s13+$0xFFFFFF50] =	vst v29;
	v17 =	vld.idx.msk [tilespmem:v31+s2+$0x0], $0xffff  }
0x13f: {  	v37 =	vadd.s32 $0xA000, v4;
	v9 =	vld.idx.msk [tilespmem:v33+s2+$0x0], $0xffff;
	[tilespmem:s13+$0xFFFFFF40] =	vst v19  }
0x140: {  	v39 =	vadd.s32 $0xA000, v6;
	v8 =	vld.idx.msk [tilespmem:v8+s2+$0x0], $0xffff;
	[tilespmem:s13+$0xFFFFFFF0] =	vst v27  }
0x141: {  	v40 =	vadd.s32 $0xA000, v3;
	v38 =	vld.idx.msk [tilespmem:v32+s2+$0x0], $0xffff;
	[tilespmem:s13+$0xFFFFFF90] =	vst v11  }
0x142: {  	v43 =	vadd.s32 $0xA000, v1;
	[tilespmem:s13+$0xFFFFFFA0] =	vst v12;
	v36 =	vld.idx.msk [tilespmem:v30+s2+$0x0], $0xffff  }
0x143: {  	v34 =	vadd.s32 $0x7800, v0;
	[tilespmem:s13+$0xFFFFFFB0] =	vst v14;
	v13 =	vld.idx.msk [tilespmem:v35+s2+$0x0], $0xffff  }
0x144: {  	v42 =	vadd.s32 $0xA000, v2;
	[tilespmem:s13+$0xFFFFFF80] =	vst v17;
	v16 =	vld.idx.msk [tilespmem:v37+s2+$0x0], $0xffff  }
0x145: {  	v18 =	vld.idx.msk [tilespmem:v39+s2+$0x0], $0xffff;
	[tilespmem:s13+$0xFFFFFF60] =	vst v8;
	v8 =	vadd.s32 $0xC800, v7  }
0x146: {  	v45 =	vadd.s32 $0xC800, v5;
	[tilespmem:s13+$0xFFFFFFD0] =	vst v9;
	v46 =	vld.idx.msk [tilespmem:v40+s2+$0x0], $0xffff  }
0x147: {  	v48 =	vadd.s32 $0xC800, v6;
	v50 =	vld.idx.msk [tilespmem:v43+s2+$0x0], $0xffff;
	[tilespmem:s13+$0xFFFFFFC0] =	vst v38  }
0x148: {  	v49 =	vadd.s32 $0xC800, v4;
	v41 =	vld.idx.msk [tilespmem:v34+s2+$0x0], $0xffff;
	[tilespmem:s13+$0x70] =	vst v36  }
0x149: {  	v44 =	vadd.s32 $0xA000, v0;
	v19 =	vld.idx.msk [tilespmem:v42+s2+$0x0], $0xffff;
	[tilespmem:s13+$0x10] =	vst v13  }
0x14a: {  	v51 =	vadd.s32 $0xC800, v3;
	[tilespmem:s13+$0x20] =	vst v16;
	v8 =	vld.idx.msk [tilespmem:v8+s2+$0x0], $0xffff  }
0x14b: {  	v47 =	vadd.s32 $0xF000, v7;
	[tilespmem:s13+$0x0] =	vst v18;
	v17 =	vld.idx.msk [tilespmem:v45+s2+$0x0], $0xffff  }
0x14c: {  	v52 =	vadd.s32 $0xC800, v2;
	[tilespmem:s13+$0x30] =	vst v46;
	v11 =	vld.idx.msk [tilespmem:v48+s2+$0x0], $0xffff  }
0x14d: {  	v55 =	vadd.s32 $0xF000, v6;
	v54 =	vld.idx.msk [tilespmem:v49+s2+$0x0], $0xffff;
	[tilespmem:s13+$0xFFFFFFE0] =	vst v41  }
0x14e: {  	v56 =	vadd.s32 $0xF000, v5;
	[tilespmem:s13+$0x50] =	vst v50;
	v15 =	vld.idx.msk [tilespmem:v44+s2+$0x0], $0xffff  }
0x14f: {  	v53 =	vadd.s32 $0xC800, v0;
	v14 =	vld.idx.msk [tilespmem:v51+s2+$0x0], $0xffff;
	[tilespmem:s13+$0xF0] =	vst v8  }
0x150: {  	[tilespmem:s13+$0x40] =	vst v19;
	v8 =	vadd.s32 $0xC800, v1;
	v9 =	vld.idx.msk [tilespmem:v47+s2+$0x0], $0xffff  }
0x151: {  	v7 =	vadd.s32 $0x11800, v7;
	v16 =	vld.idx.msk [tilespmem:v52+s2+$0x0], $0xffff;
	[tilespmem:s13+$0x80] =	vst v11  }
0x152: {  	v57 =	vadd.s32 $0xF000, v4;
	[tilespmem:s13+$0x90] =	vst v17;
	v12 =	vld.idx.msk [tilespmem:v55+s2+$0x0], $0xffff  }
0x153: {  	v58 =	vadd.s32 $0xF000, v3;
	v13 =	vld.idx.msk [tilespmem:v56+s2+$0x0], $0xffff;
	[tilespmem:s13+$0x60] =	vst v15  }
0x154: {  	v59 =	vadd.s32 $0xF000, v2;
	[tilespmem:s13+$0xA0] =	vst v54;
	v18 =	vld.idx.msk [tilespmem:v53+s2+$0x0], $0xffff  }
0x155: {  	v6 =	vadd.s32 $0x11800, v6;
	v8 =	vld.idx.msk [tilespmem:v8+s2+$0x0], $0xffff;
	[tilespmem:s13+$0x170] =	vst v9  }
0x156: {  	v60 =	vadd.s32 $0xF000, v1;
	[tilespmem:s13+$0xB0] =	vst v14;
	v7 =	vld.idx.msk [tilespmem:v7+s2+$0x0], $0xffff  }
0x157: {  	v61 =	vadd.s32 $0xF000, v0;
	v62 =	vld.idx.msk [tilespmem:v57+s2+$0x0], $0xffff;
	[tilespmem:s13+$0xC0] =	vst v16  }
0x158: {  	v5 =	vadd.s32 $0x11800, v5;
	v63 =	vld.idx.msk [tilespmem:v58+s2+$0x0], $0xffff;
	[tilespmem:s13+$0x100] =	vst v12  }
0x159: {  	v3 =	vadd.s32 $0x11800, v3;
	v9 =	vld.idx.msk [tilespmem:v59+s2+$0x0], $0xffff;
	[tilespmem:s13+$0xE0] =	vst v18  }
0x15a: {  	v12 =	vld.idx.msk [tilespmem:v6+s2+$0x0], $0xffff;
	[tilespmem:s13+$0xD0] =	vst v8;
	v8 =	vadd.s32 $0x11800, v4  }
0x15b: {  	v11 =	vld.idx.msk [tilespmem:v60+s2+$0x0], $0xffff;
	[tilespmem:s13+$0x1F0] =	vst v7;
	v7 =	vadd.s32 $0x11800, v2  }
0x15c: {  	v1 =	vadd.s32 $0x11800, v1;
	[tilespmem:s13+$0x110] =	vst v13;
	v10 =	vld.idx.msk [tilespmem:v61+s2+$0x0], $0xffff  }
0x15d: {  	v0 =	vadd.s32 $0x11800, v0;
	[tilespmem:s13+$0x130] =	vst v63;
	v4 =	vld.idx.msk [tilespmem:v5+s2+$0x0], $0xffff  }
0x15e: {  	[tilespmem:s13+$0x120] =	vst v62;
	v2 =	vld.idx.msk [tilespmem:v3+s2+$0x0], $0xffff  }
0x15f: {  	[tilespmem:s13+$0x140] =	vst v9;
	v5 =	vld.idx.msk [tilespmem:v8+s2+$0x0], $0xffff  }
0x160: {  	[tilespmem:s13+$0x150] =	vst v11;
	v6 =	vld.idx.msk [tilespmem:v7+s2+$0x0], $0xffff  }
0x161: {  	[tilespmem:s13+$0x160] =	vst v10;
	v3 =	vld.idx.msk [tilespmem:v1+s2+$0x0], $0xffff  }
0x162: {  	s25 =	simm.s32 $0x0;
	s5 =	simm.s32 $0x145C0;
	[tilespmem:s13+$0x180] =	vst v12;
	v1 =	vld.idx.msk [tilespmem:v0+s2+$0x0], $0xffff  }
.LBB2_5:
0x163: {  	v0 =	vld [tilespmem:s5+$0x30];
	s25 =	sadd.s32 $0x8, s25;
	[tilespmem:s13+$0x190] =	vst v4  }
0x164: {  	v7 =	vld [tilespmem:s5+$0xFFFFFFD0];
	p2 =	slt.u32 s25, $0x48;
	[tilespmem:s13+$0x1A0] =	vst v5  }
0x165: {  	v5 =	vld [tilespmem:s5+$0xFFFFFFE0];
	[tilespmem:s13+$0x1B0] =	vst v2  }
0x166: {  	v2 =	vld [tilespmem:s5+$0xFFFFFFF0];
	[tilespmem:s13+$0x1C0] =	vst v6  }
0x167: {  	v6 =	vld [tilespmem:s5+$0x0];
	[tilespmem:s13+$0x1D0] =	vst v3  }
0x168: {  	v3 =	vld [tilespmem:s5+$0x10];
	[tilespmem:s13+$0x1E0] =	vst v1  }
0x169: {  	v1 =	vadd.s32 $0x2800, v7;
	v21 =	vadd.s32 $0x5000, v7;
	v22 =	vadd.s32 $0x7800, v7;
	v23 =	vld [tilespmem:s5+$0x20]  }
0x16a: {  	v4 =	vld [tilespmem:s5+$0xFFFFFFC0];
	v8 =	vadd.s32 $0x2800, v5;
	v24 =	vadd.s32 $0x5000, v5;
	v25 =	vadd.s32 $0x7800, v5  }
0x16b: {  	v9 =	vadd.s32 $0x2800, v2;
	v26 =	vadd.s32 $0x5000, v2;
	v27 =	vadd.s32 $0x7800, v2;
	v10 =	vld.idx.msk [tilespmem:v0+s2+$0x0], $0xffff  }
0x16c: {  	v11 =	vld.idx.msk [tilespmem:v7+s2+$0x0], $0xffff;
	v12 =	vadd.s32 $0x2800, v6;
	v28 =	vadd.s32 $0x5000, v6;
	v29 =	vadd.s32 $0x7800, v6  }
0x16d: {  	v14 =	vadd.s32 $0x2800, v0;
	v13 =	vld.idx.msk [tilespmem:v5+s2+$0x0], $0xffff;
	v30 =	vadd.s32 $0x2800, v3;
	v31 =	vadd.s32 $0x5000, v3  }
0x16e: {  	v32 =	vadd.s32 $0x7800, v3;
	v16 =	vld.idx.msk [tilespmem:v2+s2+$0x0], $0xffff;
	v33 =	vadd.s32 $0x2800, v23;
	v34 =	vadd.s32 $0x5000, v23  }
0x16f: {  	v35 =	vadd.s32 $0x2800, v4;
	v36 =	vadd.s32 $0x5000, v4;
	v37 =	vadd.s32 $0x7800, v4;
	v20 =	vld.idx.msk [tilespmem:v6+s2+$0x0], $0xffff  }
0x170: {  	s13 =	sadd.s32 $0x400, s13;
	v39 =	vadd.s32 $0xA000, v7;
	v41 =	vadd.s32 $0x7800, v23;
	v38 =	vadd.s32 $0xA000, v4;
	v40 =	vld.idx.msk [tilespmem:v3+s2+$0x0], $0xffff  }
0x171: {  	v42 =	vadd.s32 $0xA000, v5;
	v43 =	vadd.s32 $0xA000, v2;
	v44 =	vadd.s32 $0xA000, v6;
	v45 =	vld.idx.msk [tilespmem:v23+s2+$0x0], $0xffff;
	[tilespmem:s13+$0xFFFFFE70] =	vst v10  }
0x172: {  	v46 =	vadd.s32 $0xA000, v3;
	v47 =	vadd.s32 $0xA000, v23;
	v15 =	vadd.s32 $0xC800, v4;
	[tilespmem:s13+$0xFFFFFE10] =	vst v11;
	v48 =	vld.idx.msk [tilespmem:v14+s2+$0x0], $0xffff  }
0x173: {  	v50 =	vadd.s32 $0xC800, v7;
	v19 =	vadd.s32 $0xC800, v5;
	v17 =	vadd.s32 $0xC800, v2;
	v49 =	vld.idx.msk [tilespmem:v4+s2+$0x0], $0xffff;
	[tilespmem:s13+$0xFFFFFE20] =	vst v13  }
0x174: {  	v52 =	vadd.s32 $0x5000, v0;
	v18 =	vadd.s32 $0xC800, v6;
	v51 =	vld.idx.msk [tilespmem:v1+s2+$0x0], $0xffff;
	[tilespmem:s13+$0xFFFFFE30] =	vst v16;
	v16 =	vadd.s32 $0xC800, v3  }
0x175: {  	v10 =	vadd.s32 $0xF000, v7;
	v13 =	vadd.s32 $0xF000, v4;
	v53 =	vld.idx.msk [tilespmem:v8+s2+$0x0], $0xffff;
	[tilespmem:s13+$0xFFFFFE40] =	vst v20;
	v20 =	vadd.s32 $0xC800, v23  }
0x176: {  	v14 =	vadd.s32 $0xF000, v5;
	v11 =	vadd.s32 $0xF000, v2;
	v8 =	vadd.s32 $0xF000, v6;
	v54 =	vld.idx.msk [tilespmem:v9+s2+$0x0], $0xffff;
	[tilespmem:s13+$0xFFFFFE50] =	vst v40  }
0x177: {  	v4 =	vadd.s32 $0x11800, v4;
	v9 =	vadd.s32 $0xF000, v23;
	v40 =	vld.idx.msk [tilespmem:v12+s2+$0x0], $0xffff;
	v12 =	vadd.s32 $0xF000, v3;
	[tilespmem:s13+$0xFFFFFE60] =	vst v45  }
0x178: {  	v7 =	vadd.s32 $0x11800, v7;
	v5 =	vadd.s32 $0x11800, v5;
	v2 =	vadd.s32 $0x11800, v2;
	v30 =	vld.idx.msk [tilespmem:v30+s2+$0x0], $0xffff;
	[tilespmem:s13+$0xFFFFFEF0] =	vst v48  }
0x179: {  	v1 =	vadd.s32 $0x11800, v23;
	v6 =	vadd.s32 $0x11800, v6;
	v3 =	vadd.s32 $0x11800, v3;
	[tilespmem:s13+$0xFFFFFE00] =	vst v49;
	v23 =	vld.idx.msk [tilespmem:v52+s2+$0x0], $0xffff  }
0x17a: {  	v35 =	vld.idx.msk [tilespmem:v35+s2+$0x0], $0xffff;
	[tilespmem:s13+$0xFFFFFE90] =	vst v51  }
0x17b: {  	v45 =	vadd.s32 $0x7800, v0;
	[tilespmem:s13+$0xFFFFFEA0] =	vst v53;
	v33 =	vld.idx.msk [tilespmem:v33+s2+$0x0], $0xffff  }
0x17c: {  	v21 =	vld.idx.msk [tilespmem:v21+s2+$0x0], $0xffff;
	[tilespmem:s13+$0xFFFFFEB0] =	vst v54  }
0x17d: {  	v24 =	vld.idx.msk [tilespmem:v24+s2+$0x0], $0xffff;
	[tilespmem:s13+$0xFFFFFEC0] =	vst v40  }
0x17e: {  	v26 =	vld.idx.msk [tilespmem:v26+s2+$0x0], $0xffff;
	[tilespmem:s13+$0xFFFFFED0] =	vst v30  }
0x17f: {  	v28 =	vld.idx.msk [tilespmem:v28+s2+$0x0], $0xffff;
	[tilespmem:s13+$0xFFFFFF70] =	vst v23  }
0x180: {  	[tilespmem:s13+$0xFFFFFE80] =	vst v35;
	v23 =	vld.idx.msk [tilespmem:v45+s2+$0x0], $0xffff  }
0x181: {  	v30 =	vld.idx.msk [tilespmem:v36+s2+$0x0], $0xffff;
	[tilespmem:s13+$0xFFFFFEE0] =	vst v33  }
0x182: {  	[tilespmem:s13+$0xFFFFFF10] =	vst v21;
	v21 =	vld.idx.msk [tilespmem:v31+s2+$0x0], $0xffff;
	v31 =	vadd.s32 $0xA000, v0  }
0x183: {  	[tilespmem:s13+$0xFFFFFF20] =	vst v24;
	v24 =	vld.idx.msk [tilespmem:v34+s2+$0x0], $0xffff  }
0x184: {  	v22 =	vld.idx.msk [tilespmem:v22+s2+$0x0], $0xffff;
	[tilespmem:s13+$0xFFFFFF30] =	vst v26  }
0x185: {  	v25 =	vld.idx.msk [tilespmem:v25+s2+$0x0], $0xffff;
	[tilespmem:s13+$0xFFFFFF40] =	vst v28  }
0x186: {  	v26 =	vld.idx.msk [tilespmem:v27+s2+$0x0], $0xffff;
	[tilespmem:s13+$0xFFFFFFF0] =	vst v23  }
0x187: {  	[tilespmem:s13+$0xFFFFFF00] =	vst v30;
	v23 =	vld.idx.msk [tilespmem:v31+s2+$0x0], $0xffff  }
0x188: {  	v27 =	vld.idx.msk [tilespmem:v37+s2+$0x0], $0xffff;
	[tilespmem:s13+$0xFFFFFF50] =	vst v21  }
0x189: {  	v21 =	vld.idx.msk [tilespmem:v29+s2+$0x0], $0xffff;
	[tilespmem:s13+$0xFFFFFF60] =	vst v24;
	v24 =	vadd.s32 $0xC800, v0  }
0x18a: {  	[tilespmem:s13+$0xFFFFFF90] =	vst v22;
	v22 =	vld.idx.msk [tilespmem:v32+s2+$0x0], $0xffff  }
0x18b: {  	[tilespmem:s13+$0xFFFFFFA0] =	vst v25;
	v25 =	vld.idx.msk [tilespmem:v41+s2+$0x0], $0xffff  }
0x18c: {  	v28 =	vld.idx.msk [tilespmem:v39+s2+$0x0], $0xffff;
	[tilespmem:s13+$0xFFFFFFB0] =	vst v26  }
0x18d: {  	v26 =	vld.idx.msk [tilespmem:v42+s2+$0x0], $0xffff;
	[tilespmem:s13+$0x70] =	vst v23  }
0x18e: {  	[tilespmem:s13+$0xFFFFFF80] =	vst v27;
	v23 =	vld.idx.msk [tilespmem:v24+s2+$0x0], $0xffff  }
0x18f: {  	v24 =	vld.idx.msk [tilespmem:v38+s2+$0x0], $0xffff;
	[tilespmem:s13+$0xFFFFFFC0] =	vst v21  }
0x190: {  	v21 =	vld.idx.msk [tilespmem:v43+s2+$0x0], $0xffff;
	[tilespmem:s13+$0xFFFFFFD0] =	vst v22;
	v22 =	vadd.s32 $0xF000, v0  }
0x191: {  	v27 =	vld.idx.msk [tilespmem:v44+s2+$0x0], $0xffff;
	[tilespmem:s13+$0xFFFFFFE0] =	vst v25  }
0x192: {  	[tilespmem:s13+$0x10] =	vst v28;
	v25 =	vld.idx.msk [tilespmem:v46+s2+$0x0], $0xffff  }
0x193: {  	[tilespmem:s13+$0x20] =	vst v26;
	v26 =	vld.idx.msk [tilespmem:v47+s2+$0x0], $0xffff  }
0x194: {  	v28 =	vld.idx.msk [tilespmem:v50+s2+$0x0], $0xffff;
	[tilespmem:s13+$0xF0] =	vst v23  }
0x195: {  	[tilespmem:s13+$0x0] =	vst v24;
	v22 =	vld.idx.msk [tilespmem:v22+s2+$0x0], $0xffff  }
0x196: {  	v15 =	vld.idx.msk [tilespmem:v15+s2+$0x0], $0xffff;
	[tilespmem:s13+$0x30] =	vst v21  }
0x197: {  	v0 =	vadd.s32 $0x11800, v0;
	v19 =	vld.idx.msk [tilespmem:v19+s2+$0x0], $0xffff;
	[tilespmem:s13+$0x40] =	vst v27  }
0x198: {  	v17 =	vld.idx.msk [tilespmem:v17+s2+$0x0], $0xffff;
	[tilespmem:s13+$0x50] =	vst v25  }
0x199: {  	v18 =	vld.idx.msk [tilespmem:v18+s2+$0x0], $0xffff;
	[tilespmem:s13+$0x60] =	vst v26  }
0x19a: {  	[tilespmem:s13+$0x90] =	vst v28;
	v16 =	vld.idx.msk [tilespmem:v16+s2+$0x0], $0xffff  }
0x19b: {  	v20 =	vld.idx.msk [tilespmem:v20+s2+$0x0], $0xffff;
	[tilespmem:s13+$0x170] =	vst v22  }
0x19c: {  	[tilespmem:s13+$0x80] =	vst v15;
	v0 =	vld.idx.msk [tilespmem:v0+s2+$0x0], $0xffff  }
0x19d: {  	v13 =	vld.idx.msk [tilespmem:v13+s2+$0x0], $0xffff;
	[tilespmem:s13+$0xA0] =	vst v19  }
0x19e: {  	v10 =	vld.idx.msk [tilespmem:v10+s2+$0x0], $0xffff;
	[tilespmem:s13+$0xB0] =	vst v17  }
0x19f: {  	v14 =	vld.idx.msk [tilespmem:v14+s2+$0x0], $0xffff;
	[tilespmem:s13+$0xC0] =	vst v18  }
0x1a0: {  	v11 =	vld.idx.msk [tilespmem:v11+s2+$0x0], $0xffff;
	[tilespmem:s13+$0xD0] =	vst v16  }
0x1a1: {  	v8 =	vld.idx.msk [tilespmem:v8+s2+$0x0], $0xffff;
	[tilespmem:s13+$0xE0] =	vst v20  }
0x1a2: {  	v12 =	vld.idx.msk [tilespmem:v12+s2+$0x0], $0xffff;
	[tilespmem:s13+$0x1F0] =	vst v0  }
0x1a3: {  	[tilespmem:s13+$0x100] =	vst v13;
	v0 =	vld.idx.msk [tilespmem:v9+s2+$0x0], $0xffff  }
0x1a4: {  	v9 =	vld.idx.msk [tilespmem:v4+s2+$0x0], $0xffff;
	[tilespmem:s13+$0x110] =	vst v10  }
0x1a5: {  	v4 =	vld.idx.msk [tilespmem:v7+s2+$0x0], $0xffff;
	[tilespmem:s13+$0x120] =	vst v14  }
.Ltmp1:
0x1a6: {  	v5 =	vld.idx.msk [tilespmem:v5+s2+$0x0], $0xffff;
	[tilespmem:s13+$0x130] =	vst v11;
	(pc) =	sbr.rel @p2 .LBB2_5-.Ltmp1, $4  }
0x1a7: {  	v2 =	vld.idx.msk [tilespmem:v2+s2+$0x0], $0xffff;
	[tilespmem:s13+$0x140] =	vst v8  }
0x1a8: {  	v6 =	vld.idx.msk [tilespmem:v6+s2+$0x0], $0xffff;
	[tilespmem:s13+$0x150] =	vst v12  }
0x1a9: {  	v3 =	vld.idx.msk [tilespmem:v3+s2+$0x0], $0xffff;
	[tilespmem:s13+$0x160] =	vst v0  }
0x1aa: {  	s5 =	sadd.s32 $0x80, s5;
	[tilespmem:s13+$0x180] =	vst v9;
	v1 =	vld.idx.msk [tilespmem:v1+s2+$0x0], $0xffff  }
0x1ab: {  	[tilespmem:s13+$0x190] =	vst v4;
	s10 =	sadd.s32 $0x1, s10  }
0x1ac: {  	[tilespmem:s13+$0x1A0] =	vst v5;
	p2 =	sne.s32 s10, $0x3E  }
.Ltmp2:
0x1ad: {  	[tilespmem:s13+$0x1B0] =	vst v2;
	(pc) =	sbr.rel @p2 .LBB2_2-.Ltmp2, $4  }
0x1ae: {  	[tilespmem:s13+$0x1C0] =	vst v6  }
0x1af: {  	[tilespmem:s13+$0x1D0] =	vst v3  }
0x1b0: {  	s5 =	sadd.s32 s12, s22;
	[tilespmem:s13+$0x1E0] =	vst v1  }
0x1b1: {  	[hbm4b:s5+s2] =	stream.linear.scatter [tilespmem:s7], [sflag:$0x4], $0x2800, $0x38;
	[tilespmem:$0x1EA00] =	vst v63  }
0x1b2: {  	_ =	swait.ge [sflag:s29], $0x500  }
0x1b3: {  	[sflag:s29] =	ssyncset.done $0x0  }
0x1b4: {  	[sflag:s29] =	ssyncadd.s32 $0xFFFFFB00  }
0x1b5: {  	_ =	swait.ge [sflag:s1], $0x2800  }
0x1b6: {  	[sflag:s1] =	ssyncset.done $0x0  }
0x1b7: {  	s5 =	simm.s32 $0x14040;
	[sflag:s1] =	ssyncadd.s32 $0xFFFFD800  }
0x1b8: {  	v7 =	vld [tilespmem:s5+$0x30]  }
0x1b9: {  	v5 =	vld [tilespmem:s5+$0xFFFFFFD0]  }
0x1ba: {  	v4 =	vld [tilespmem:s5+$0xFFFFFFE0]  }
0x1bb: {  	v3 =	vld [tilespmem:s5+$0xFFFFFFF0]  }
0x1bc: {  	v2 =	vld [tilespmem:s5+$0x0]  }
0x1bd: {  	v1 =	vld [tilespmem:s5+$0x10]  }
0x1be: {  	v0 =	vld [tilespmem:s5+$0x20]  }
0x1bf: {  	v6 =	vld [tilespmem:s5+$0xFFFFFFC0]  }
0x1c0: {  	v8 =	vld.idx.msk [tilespmem:v7+s2+$0x0], $0xffff  }
0x1c1: {  	v9 =	vld.idx.msk [tilespmem:v5+s2+$0x0], $0xffff  }
0x1c2: {  	v10 =	vld.idx.msk [tilespmem:v4+s2+$0x0], $0xffff  }
0x1c3: {  	v11 =	vadd.s32 $0x2800, v7;
	v12 =	vld.idx.msk [tilespmem:v3+s2+$0x0], $0xffff  }
0x1c4: {  	v13 =	vadd.s32 $0x2800, v5;
	v14 =	vld.idx.msk [tilespmem:v2+s2+$0x0], $0xffff  }
0x1c5: {  	s10 =	simm.s32 $0x14C00;
	v15 =	vadd.s32 $0x2800, v4;
	v16 =	vld.idx.msk [tilespmem:v1+s2+$0x0], $0xffff  }
0x1c6: {  	v17 =	vadd.s32 $0x2800, v3;
	v18 =	vld.idx.msk [tilespmem:v0+s2+$0x0], $0xffff;
	[tilespmem:s10+$0xFFFFFE70] =	vst v8  }
0x1c7: {  	v55 =	vadd.s32 $0x2800, v1;
	v19 =	vld.idx.msk [tilespmem:v6+s2+$0x0], $0xffff;
	[tilespmem:s10+$0xFFFFFE10] =	vst v9  }
0x1c8: {  	v58 =	vadd.s32 $0x2800, v6;
	[tilespmem:s10+$0xFFFFFE20] =	vst v10;
	v54 =	vld.idx.msk [tilespmem:v11+s2+$0x0], $0xffff  }
0x1c9: {  	v59 =	vadd.s32 $0x2800, v0;
	[tilespmem:s10+$0xFFFFFE30] =	vst v12;
	v56 =	vld.idx.msk [tilespmem:v13+s2+$0x0], $0xffff  }
0x1ca: {  	v8 =	vadd.s32 $0x2800, v2;
	[tilespmem:s10+$0xFFFFFE40] =	vst v14;
	v15 =	vld.idx.msk [tilespmem:v15+s2+$0x0], $0xffff  }
0x1cb: {  	v57 =	vadd.s32 $0x5000, v7;
	[tilespmem:s10+$0xFFFFFE50] =	vst v16;
	v17 =	vld.idx.msk [tilespmem:v17+s2+$0x0], $0xffff  }
0x1cc: {  	v60 =	vadd.s32 $0x5000, v5;
	[tilespmem:s10+$0xFFFFFE00] =	vst v19;
	v11 =	vld.idx.msk [tilespmem:v55+s2+$0x0], $0xffff  }
0x1cd: {  	v61 =	vadd.s32 $0x5000, v4;
	[tilespmem:s10+$0xFFFFFE60] =	vst v18;
	v13 =	vld.idx.msk [tilespmem:v58+s2+$0x0], $0xffff  }
0x1ce: {  	v62 =	vadd.s32 $0x5000, v3;
	v21 =	vld.idx.msk [tilespmem:v59+s2+$0x0], $0xffff;
	[tilespmem:s10+$0xFFFFFEF0] =	vst v54  }
0x1cf: {  	v23 =	vadd.s32 $0x5000, v6;
	v8 =	vld.idx.msk [tilespmem:v8+s2+$0x0], $0xffff;
	[tilespmem:s10+$0xFFFFFE90] =	vst v56  }
0x1d0: {  	v24 =	vadd.s32 $0x5000, v1;
	[tilespmem:s10+$0xFFFFFEA0] =	vst v15;
	v12 =	vld.idx.msk [tilespmem:v57+s2+$0x0], $0xffff  }
0x1d1: {  	v63 =	vadd.s32 $0x5000, v2;
	[tilespmem:s10+$0xFFFFFEB0] =	vst v17;
	v16 =	vld.idx.msk [tilespmem:v60+s2+$0x0], $0xffff  }
0x1d2: {  	v22 =	vadd.s32 $0x7800, v7;
	[tilespmem:s10+$0xFFFFFED0] =	vst v11;
	v18 =	vld.idx.msk [tilespmem:v61+s2+$0x0], $0xffff  }
0x1d3: {  	v25 =	vadd.s32 $0x7800, v5;
	[tilespmem:s10+$0xFFFFFE80] =	vst v13;
	v9 =	vld.idx.msk [tilespmem:v62+s2+$0x0], $0xffff  }
0x1d4: {  	v26 =	vadd.s32 $0x7800, v4;
	[tilespmem:s10+$0xFFFFFEE0] =	vst v21;
	v15 =	vld.idx.msk [tilespmem:v23+s2+$0x0], $0xffff  }
0x1d5: {  	v28 =	vadd.s32 $0x7800, v3;
	v29 =	vld.idx.msk [tilespmem:v24+s2+$0x0], $0xffff;
	[tilespmem:s10+$0xFFFFFEC0] =	vst v8  }
0x1d6: {  	v31 =	vadd.s32 $0x7800, v6;
	v19 =	vld.idx.msk [tilespmem:v63+s2+$0x0], $0xffff;
	[tilespmem:s10+$0xFFFFFF70] =	vst v12  }
0x1d7: {  	v33 =	vadd.s32 $0x7800, v1;
	[tilespmem:s10+$0xFFFFFF10] =	vst v16;
	v27 =	vld.idx.msk [tilespmem:v22+s2+$0x0], $0xffff  }
0x1d8: {  	v8 =	vadd.s32 $0x5000, v0;
	[tilespmem:s10+$0xFFFFFF20] =	vst v18;
	v11 =	vld.idx.msk [tilespmem:v25+s2+$0x0], $0xffff  }
0x1d9: {  	v32 =	vadd.s32 $0x7800, v2;
	[tilespmem:s10+$0xFFFFFF30] =	vst v9;
	v12 =	vld.idx.msk [tilespmem:v26+s2+$0x0], $0xffff  }
0x1da: {  	v30 =	vadd.s32 $0xA000, v7;
	[tilespmem:s10+$0xFFFFFF00] =	vst v15;
	v14 =	vld.idx.msk [tilespmem:v28+s2+$0x0], $0xffff  }
0x1db: {  	v35 =	vadd.s32 $0xA000, v5;
	[tilespmem:s10+$0xFFFFFF50] =	vst v29;
	v17 =	vld.idx.msk [tilespmem:v31+s2+$0x0], $0xffff  }
0x1dc: {  	v37 =	vadd.s32 $0xA000, v4;
	v9 =	vld.idx.msk [tilespmem:v33+s2+$0x0], $0xffff;
	[tilespmem:s10+$0xFFFFFF40] =	vst v19  }
0x1dd: {  	v39 =	vadd.s32 $0xA000, v6;
	v8 =	vld.idx.msk [tilespmem:v8+s2+$0x0], $0xffff;
	[tilespmem:s10+$0xFFFFFFF0] =	vst v27  }
0x1de: {  	v40 =	vadd.s32 $0xA000, v3;
	v38 =	vld.idx.msk [tilespmem:v32+s2+$0x0], $0xffff;
	[tilespmem:s10+$0xFFFFFF90] =	vst v11  }
0x1df: {  	v43 =	vadd.s32 $0xA000, v1;
	[tilespmem:s10+$0xFFFFFFA0] =	vst v12;
	v36 =	vld.idx.msk [tilespmem:v30+s2+$0x0], $0xffff  }
0x1e0: {  	v34 =	vadd.s32 $0x7800, v0;
	[tilespmem:s10+$0xFFFFFFB0] =	vst v14;
	v13 =	vld.idx.msk [tilespmem:v35+s2+$0x0], $0xffff  }
0x1e1: {  	v42 =	vadd.s32 $0xA000, v2;
	[tilespmem:s10+$0xFFFFFF80] =	vst v17;
	v16 =	vld.idx.msk [tilespmem:v37+s2+$0x0], $0xffff  }
0x1e2: {  	v18 =	vld.idx.msk [tilespmem:v39+s2+$0x0], $0xffff;
	[tilespmem:s10+$0xFFFFFF60] =	vst v8;
	v8 =	vadd.s32 $0xC800, v7  }
0x1e3: {  	v45 =	vadd.s32 $0xC800, v5;
	[tilespmem:s10+$0xFFFFFFD0] =	vst v9;
	v46 =	vld.idx.msk [tilespmem:v40+s2+$0x0], $0xffff  }
0x1e4: {  	v48 =	vadd.s32 $0xC800, v6;
	v50 =	vld.idx.msk [tilespmem:v43+s2+$0x0], $0xffff;
	[tilespmem:s10+$0xFFFFFFC0] =	vst v38  }
0x1e5: {  	v49 =	vadd.s32 $0xC800, v4;
	v41 =	vld.idx.msk [tilespmem:v34+s2+$0x0], $0xffff;
	[tilespmem:s10+$0x70] =	vst v36  }
0x1e6: {  	v44 =	vadd.s32 $0xA000, v0;
	v19 =	vld.idx.msk [tilespmem:v42+s2+$0x0], $0xffff;
	[tilespmem:s10+$0x10] =	vst v13  }
0x1e7: {  	v51 =	vadd.s32 $0xC800, v3;
	[tilespmem:s10+$0x20] =	vst v16;
	v8 =	vld.idx.msk [tilespmem:v8+s2+$0x0], $0xffff  }
0x1e8: {  	v47 =	vadd.s32 $0xF000, v7;
	[tilespmem:s10+$0x0] =	vst v18;
	v17 =	vld.idx.msk [tilespmem:v45+s2+$0x0], $0xffff  }
0x1e9: {  	v52 =	vadd.s32 $0xC800, v2;
	[tilespmem:s10+$0x30] =	vst v46;
	v11 =	vld.idx.msk [tilespmem:v48+s2+$0x0], $0xffff  }
0x1ea: {  	v55 =	vadd.s32 $0xF000, v6;
	v54 =	vld.idx.msk [tilespmem:v49+s2+$0x0], $0xffff;
	[tilespmem:s10+$0xFFFFFFE0] =	vst v41  }
0x1eb: {  	v56 =	vadd.s32 $0xF000, v5;
	[tilespmem:s10+$0x50] =	vst v50;
	v15 =	vld.idx.msk [tilespmem:v44+s2+$0x0], $0xffff  }
0x1ec: {  	v53 =	vadd.s32 $0xC800, v0;
	v14 =	vld.idx.msk [tilespmem:v51+s2+$0x0], $0xffff;
	[tilespmem:s10+$0xF0] =	vst v8  }
0x1ed: {  	[tilespmem:s10+$0x40] =	vst v19;
	v8 =	vadd.s32 $0xC800, v1;
	v9 =	vld.idx.msk [tilespmem:v47+s2+$0x0], $0xffff  }
0x1ee: {  	v7 =	vadd.s32 $0x11800, v7;
	v16 =	vld.idx.msk [tilespmem:v52+s2+$0x0], $0xffff;
	[tilespmem:s10+$0x80] =	vst v11  }
0x1ef: {  	v57 =	vadd.s32 $0xF000, v4;
	[tilespmem:s10+$0x90] =	vst v17;
	v12 =	vld.idx.msk [tilespmem:v55+s2+$0x0], $0xffff  }
0x1f0: {  	v58 =	vadd.s32 $0xF000, v3;
	v13 =	vld.idx.msk [tilespmem:v56+s2+$0x0], $0xffff;
	[tilespmem:s10+$0x60] =	vst v15  }
0x1f1: {  	v59 =	vadd.s32 $0xF000, v2;
	[tilespmem:s10+$0xA0] =	vst v54;
	v18 =	vld.idx.msk [tilespmem:v53+s2+$0x0], $0xffff  }
0x1f2: {  	v6 =	vadd.s32 $0x11800, v6;
	v8 =	vld.idx.msk [tilespmem:v8+s2+$0x0], $0xffff;
	[tilespmem:s10+$0x170] =	vst v9  }
0x1f3: {  	v60 =	vadd.s32 $0xF000, v1;
	[tilespmem:s10+$0xB0] =	vst v14;
	v7 =	vld.idx.msk [tilespmem:v7+s2+$0x0], $0xffff  }
0x1f4: {  	v61 =	vadd.s32 $0xF000, v0;
	v62 =	vld.idx.msk [tilespmem:v57+s2+$0x0], $0xffff;
	[tilespmem:s10+$0xC0] =	vst v16  }
0x1f5: {  	v5 =	vadd.s32 $0x11800, v5;
	v63 =	vld.idx.msk [tilespmem:v58+s2+$0x0], $0xffff;
	[tilespmem:s10+$0x100] =	vst v12  }
0x1f6: {  	v3 =	vadd.s32 $0x11800, v3;
	v9 =	vld.idx.msk [tilespmem:v59+s2+$0x0], $0xffff;
	[tilespmem:s10+$0xE0] =	vst v18  }
0x1f7: {  	v12 =	vld.idx.msk [tilespmem:v6+s2+$0x0], $0xffff;
	[tilespmem:s10+$0xD0] =	vst v8;
	v8 =	vadd.s32 $0x11800, v4  }
0x1f8: {  	v11 =	vld.idx.msk [tilespmem:v60+s2+$0x0], $0xffff;
	[tilespmem:s10+$0x1F0] =	vst v7;
	v7 =	vadd.s32 $0x11800, v2  }
0x1f9: {  	v1 =	vadd.s32 $0x11800, v1;
	[tilespmem:s10+$0x110] =	vst v13;
	v10 =	vld.idx.msk [tilespmem:v61+s2+$0x0], $0xffff  }
0x1fa: {  	v0 =	vadd.s32 $0x11800, v0;
	[tilespmem:s10+$0x130] =	vst v63;
	v4 =	vld.idx.msk [tilespmem:v5+s2+$0x0], $0xffff  }
0x1fb: {  	[tilespmem:s10+$0x120] =	vst v62;
	v2 =	vld.idx.msk [tilespmem:v3+s2+$0x0], $0xffff  }
0x1fc: {  	[tilespmem:s10+$0x140] =	vst v9;
	v5 =	vld.idx.msk [tilespmem:v8+s2+$0x0], $0xffff  }
0x1fd: {  	[tilespmem:s10+$0x150] =	vst v11;
	v6 =	vld.idx.msk [tilespmem:v7+s2+$0x0], $0xffff  }
0x1fe: {  	[tilespmem:s10+$0x160] =	vst v10;
	v3 =	vld.idx.msk [tilespmem:v1+s2+$0x0], $0xffff  }
0x1ff: {  	s12 =	simm.s32 $0x0;
	s5 =	simm.s32 $0x140C0;
	[tilespmem:s10+$0x180] =	vst v12;
	v1 =	vld.idx.msk [tilespmem:v0+s2+$0x0], $0xffff  }
.LBB2_8:
0x200: {  	v0 =	vld [tilespmem:s5+$0x30];
	s12 =	sadd.s32 $0x8, s12;
	[tilespmem:s10+$0x190] =	vst v4  }
0x201: {  	v7 =	vld [tilespmem:s5+$0xFFFFFFD0];
	p2 =	slt.u32 s12, $0x48;
	[tilespmem:s10+$0x1A0] =	vst v5  }
0x202: {  	v5 =	vld [tilespmem:s5+$0xFFFFFFE0];
	[tilespmem:s10+$0x1B0] =	vst v2  }
0x203: {  	v2 =	vld [tilespmem:s5+$0xFFFFFFF0];
	[tilespmem:s10+$0x1C0] =	vst v6  }
0x204: {  	v6 =	vld [tilespmem:s5+$0x0];
	[tilespmem:s10+$0x1D0] =	vst v3  }
0x205: {  	v3 =	vld [tilespmem:s5+$0x10];
	[tilespmem:s10+$0x1E0] =	vst v1  }
0x206: {  	v1 =	vadd.s32 $0x2800, v7;
	v21 =	vadd.s32 $0x5000, v7;
	v22 =	vadd.s32 $0x7800, v7;
	v23 =	vld [tilespmem:s5+$0x20]  }
0x207: {  	v4 =	vld [tilespmem:s5+$0xFFFFFFC0];
	v8 =	vadd.s32 $0x2800, v5;
	v24 =	vadd.s32 $0x5000, v5;
	v25 =	vadd.s32 $0x7800, v5  }
0x208: {  	v9 =	vadd.s32 $0x2800, v2;
	v26 =	vadd.s32 $0x5000, v2;
	v27 =	vadd.s32 $0x7800, v2;
	v10 =	vld.idx.msk [tilespmem:v0+s2+$0x0], $0xffff  }
0x209: {  	v11 =	vld.idx.msk [tilespmem:v7+s2+$0x0], $0xffff;
	v12 =	vadd.s32 $0x2800, v6;
	v28 =	vadd.s32 $0x5000, v6;
	v29 =	vadd.s32 $0x7800, v6  }
0x20a: {  	v14 =	vadd.s32 $0x2800, v0;
	v13 =	vld.idx.msk [tilespmem:v5+s2+$0x0], $0xffff;
	v30 =	vadd.s32 $0x2800, v3;
	v31 =	vadd.s32 $0x5000, v3  }
0x20b: {  	v32 =	vadd.s32 $0x7800, v3;
	v16 =	vld.idx.msk [tilespmem:v2+s2+$0x0], $0xffff;
	v33 =	vadd.s32 $0x2800, v23;
	v34 =	vadd.s32 $0x5000, v23  }
0x20c: {  	v35 =	vadd.s32 $0x2800, v4;
	v36 =	vadd.s32 $0x5000, v4;
	v37 =	vadd.s32 $0x7800, v4;
	v20 =	vld.idx.msk [tilespmem:v6+s2+$0x0], $0xffff  }
0x20d: {  	s10 =	sadd.s32 $0x400, s10;
	v39 =	vadd.s32 $0xA000, v7;
	v41 =	vadd.s32 $0x7800, v23;
	v38 =	vadd.s32 $0xA000, v4;
	v40 =	vld.idx.msk [tilespmem:v3+s2+$0x0], $0xffff  }
0x20e: {  	v42 =	vadd.s32 $0xA000, v5;
	v43 =	vadd.s32 $0xA000, v2;
	v44 =	vadd.s32 $0xA000, v6;
	v45 =	vld.idx.msk [tilespmem:v23+s2+$0x0], $0xffff;
	[tilespmem:s10+$0xFFFFFE70] =	vst v10  }
0x20f: {  	v46 =	vadd.s32 $0xA000, v3;
	v47 =	vadd.s32 $0xA000, v23;
	v15 =	vadd.s32 $0xC800, v4;
	[tilespmem:s10+$0xFFFFFE10] =	vst v11;
	v48 =	vld.idx.msk [tilespmem:v14+s2+$0x0], $0xffff  }
0x210: {  	v50 =	vadd.s32 $0xC800, v7;
	v19 =	vadd.s32 $0xC800, v5;
	v17 =	vadd.s32 $0xC800, v2;
	v49 =	vld.idx.msk [tilespmem:v4+s2+$0x0], $0xffff;
	[tilespmem:s10+$0xFFFFFE20] =	vst v13  }
0x211: {  	v52 =	vadd.s32 $0x5000, v0;
	v18 =	vadd.s32 $0xC800, v6;
	v51 =	vld.idx.msk [tilespmem:v1+s2+$0x0], $0xffff;
	[tilespmem:s10+$0xFFFFFE30] =	vst v16;
	v16 =	vadd.s32 $0xC800, v3  }
0x212: {  	v10 =	vadd.s32 $0xF000, v7;
	v13 =	vadd.s32 $0xF000, v4;
	v53 =	vld.idx.msk [tilespmem:v8+s2+$0x0], $0xffff;
	[tilespmem:s10+$0xFFFFFE40] =	vst v20;
	v20 =	vadd.s32 $0xC800, v23  }
0x213: {  	v14 =	vadd.s32 $0xF000, v5;
	v11 =	vadd.s32 $0xF000, v2;
	v8 =	vadd.s32 $0xF000, v6;
	v54 =	vld.idx.msk [tilespmem:v9+s2+$0x0], $0xffff;
	[tilespmem:s10+$0xFFFFFE50] =	vst v40  }
0x214: {  	v4 =	vadd.s32 $0x11800, v4;
	v9 =	vadd.s32 $0xF000, v23;
	v40 =	vld.idx.msk [tilespmem:v12+s2+$0x0], $0xffff;
	v12 =	vadd.s32 $0xF000, v3;
	[tilespmem:s10+$0xFFFFFE60] =	vst v45  }
0x215: {  	v7 =	vadd.s32 $0x11800, v7;
	v5 =	vadd.s32 $0x11800, v5;
	v2 =	vadd.s32 $0x11800, v2;
	v30 =	vld.idx.msk [tilespmem:v30+s2+$0x0], $0xffff;
	[tilespmem:s10+$0xFFFFFEF0] =	vst v48  }
0x216: {  	v1 =	vadd.s32 $0x11800, v23;
	v6 =	vadd.s32 $0x11800, v6;
	v3 =	vadd.s32 $0x11800, v3;
	[tilespmem:s10+$0xFFFFFE00] =	vst v49;
	v23 =	vld.idx.msk [tilespmem:v52+s2+$0x0], $0xffff  }
0x217: {  	v35 =	vld.idx.msk [tilespmem:v35+s2+$0x0], $0xffff;
	[tilespmem:s10+$0xFFFFFE90] =	vst v51  }
0x218: {  	v45 =	vadd.s32 $0x7800, v0;
	[tilespmem:s10+$0xFFFFFEA0] =	vst v53;
	v33 =	vld.idx.msk [tilespmem:v33+s2+$0x0], $0xffff  }
0x219: {  	v21 =	vld.idx.msk [tilespmem:v21+s2+$0x0], $0xffff;
	[tilespmem:s10+$0xFFFFFEB0] =	vst v54  }
0x21a: {  	v24 =	vld.idx.msk [tilespmem:v24+s2+$0x0], $0xffff;
	[tilespmem:s10+$0xFFFFFEC0] =	vst v40  }
0x21b: {  	v26 =	vld.idx.msk [tilespmem:v26+s2+$0x0], $0xffff;
	[tilespmem:s10+$0xFFFFFED0] =	vst v30  }
0x21c: {  	v28 =	vld.idx.msk [tilespmem:v28+s2+$0x0], $0xffff;
	[tilespmem:s10+$0xFFFFFF70] =	vst v23  }
0x21d: {  	[tilespmem:s10+$0xFFFFFE80] =	vst v35;
	v23 =	vld.idx.msk [tilespmem:v45+s2+$0x0], $0xffff  }
0x21e: {  	v30 =	vld.idx.msk [tilespmem:v36+s2+$0x0], $0xffff;
	[tilespmem:s10+$0xFFFFFEE0] =	vst v33  }
0x21f: {  	[tilespmem:s10+$0xFFFFFF10] =	vst v21;
	v21 =	vld.idx.msk [tilespmem:v31+s2+$0x0], $0xffff;
	v31 =	vadd.s32 $0xA000, v0  }
0x220: {  	[tilespmem:s10+$0xFFFFFF20] =	vst v24;
	v24 =	vld.idx.msk [tilespmem:v34+s2+$0x0], $0xffff  }
0x221: {  	v22 =	vld.idx.msk [tilespmem:v22+s2+$0x0], $0xffff;
	[tilespmem:s10+$0xFFFFFF30] =	vst v26  }
0x222: {  	v25 =	vld.idx.msk [tilespmem:v25+s2+$0x0], $0xffff;
	[tilespmem:s10+$0xFFFFFF40] =	vst v28  }
0x223: {  	v26 =	vld.idx.msk [tilespmem:v27+s2+$0x0], $0xffff;
	[tilespmem:s10+$0xFFFFFFF0] =	vst v23  }
0x224: {  	[tilespmem:s10+$0xFFFFFF00] =	vst v30;
	v23 =	vld.idx.msk [tilespmem:v31+s2+$0x0], $0xffff  }
0x225: {  	v27 =	vld.idx.msk [tilespmem:v37+s2+$0x0], $0xffff;
	[tilespmem:s10+$0xFFFFFF50] =	vst v21  }
0x226: {  	v21 =	vld.idx.msk [tilespmem:v29+s2+$0x0], $0xffff;
	[tilespmem:s10+$0xFFFFFF60] =	vst v24;
	v24 =	vadd.s32 $0xC800, v0  }
0x227: {  	[tilespmem:s10+$0xFFFFFF90] =	vst v22;
	v22 =	vld.idx.msk [tilespmem:v32+s2+$0x0], $0xffff  }
0x228: {  	[tilespmem:s10+$0xFFFFFFA0] =	vst v25;
	v25 =	vld.idx.msk [tilespmem:v41+s2+$0x0], $0xffff  }
0x229: {  	v28 =	vld.idx.msk [tilespmem:v39+s2+$0x0], $0xffff;
	[tilespmem:s10+$0xFFFFFFB0] =	vst v26  }
0x22a: {  	v26 =	vld.idx.msk [tilespmem:v42+s2+$0x0], $0xffff;
	[tilespmem:s10+$0x70] =	vst v23  }
0x22b: {  	[tilespmem:s10+$0xFFFFFF80] =	vst v27;
	v23 =	vld.idx.msk [tilespmem:v24+s2+$0x0], $0xffff  }
0x22c: {  	v24 =	vld.idx.msk [tilespmem:v38+s2+$0x0], $0xffff;
	[tilespmem:s10+$0xFFFFFFC0] =	vst v21  }
0x22d: {  	v21 =	vld.idx.msk [tilespmem:v43+s2+$0x0], $0xffff;
	[tilespmem:s10+$0xFFFFFFD0] =	vst v22;
	v22 =	vadd.s32 $0xF000, v0  }
0x22e: {  	v27 =	vld.idx.msk [tilespmem:v44+s2+$0x0], $0xffff;
	[tilespmem:s10+$0xFFFFFFE0] =	vst v25  }
0x22f: {  	[tilespmem:s10+$0x10] =	vst v28;
	v25 =	vld.idx.msk [tilespmem:v46+s2+$0x0], $0xffff  }
0x230: {  	[tilespmem:s10+$0x20] =	vst v26;
	v26 =	vld.idx.msk [tilespmem:v47+s2+$0x0], $0xffff  }
0x231: {  	v28 =	vld.idx.msk [tilespmem:v50+s2+$0x0], $0xffff;
	[tilespmem:s10+$0xF0] =	vst v23  }
0x232: {  	[tilespmem:s10+$0x0] =	vst v24;
	v22 =	vld.idx.msk [tilespmem:v22+s2+$0x0], $0xffff  }
0x233: {  	v15 =	vld.idx.msk [tilespmem:v15+s2+$0x0], $0xffff;
	[tilespmem:s10+$0x30] =	vst v21  }
0x234: {  	v0 =	vadd.s32 $0x11800, v0;
	v19 =	vld.idx.msk [tilespmem:v19+s2+$0x0], $0xffff;
	[tilespmem:s10+$0x40] =	vst v27  }
0x235: {  	v17 =	vld.idx.msk [tilespmem:v17+s2+$0x0], $0xffff;
	[tilespmem:s10+$0x50] =	vst v25  }
0x236: {  	v18 =	vld.idx.msk [tilespmem:v18+s2+$0x0], $0xffff;
	[tilespmem:s10+$0x60] =	vst v26  }
0x237: {  	[tilespmem:s10+$0x90] =	vst v28;
	v16 =	vld.idx.msk [tilespmem:v16+s2+$0x0], $0xffff  }
0x238: {  	v20 =	vld.idx.msk [tilespmem:v20+s2+$0x0], $0xffff;
	[tilespmem:s10+$0x170] =	vst v22  }
0x239: {  	[tilespmem:s10+$0x80] =	vst v15;
	v0 =	vld.idx.msk [tilespmem:v0+s2+$0x0], $0xffff  }
0x23a: {  	v13 =	vld.idx.msk [tilespmem:v13+s2+$0x0], $0xffff;
	[tilespmem:s10+$0xA0] =	vst v19  }
0x23b: {  	v10 =	vld.idx.msk [tilespmem:v10+s2+$0x0], $0xffff;
	[tilespmem:s10+$0xB0] =	vst v17  }
0x23c: {  	v14 =	vld.idx.msk [tilespmem:v14+s2+$0x0], $0xffff;
	[tilespmem:s10+$0xC0] =	vst v18  }
0x23d: {  	v11 =	vld.idx.msk [tilespmem:v11+s2+$0x0], $0xffff;
	[tilespmem:s10+$0xD0] =	vst v16  }
0x23e: {  	v8 =	vld.idx.msk [tilespmem:v8+s2+$0x0], $0xffff;
	[tilespmem:s10+$0xE0] =	vst v20  }
0x23f: {  	v12 =	vld.idx.msk [tilespmem:v12+s2+$0x0], $0xffff;
	[tilespmem:s10+$0x1F0] =	vst v0  }
0x240: {  	[tilespmem:s10+$0x100] =	vst v13;
	v0 =	vld.idx.msk [tilespmem:v9+s2+$0x0], $0xffff  }
0x241: {  	v9 =	vld.idx.msk [tilespmem:v4+s2+$0x0], $0xffff;
	[tilespmem:s10+$0x110] =	vst v10  }
0x242: {  	v4 =	vld.idx.msk [tilespmem:v7+s2+$0x0], $0xffff;
	[tilespmem:s10+$0x120] =	vst v14  }
.Ltmp3:
0x243: {  	v5 =	vld.idx.msk [tilespmem:v5+s2+$0x0], $0xffff;
	[tilespmem:s10+$0x130] =	vst v11;
	(pc) =	sbr.rel @p2 .LBB2_8-.Ltmp3, $4  }
0x244: {  	v2 =	vld.idx.msk [tilespmem:v2+s2+$0x0], $0xffff;
	[tilespmem:s10+$0x140] =	vst v8  }
0x245: {  	v6 =	vld.idx.msk [tilespmem:v6+s2+$0x0], $0xffff;
	[tilespmem:s10+$0x150] =	vst v12  }
0x246: {  	v3 =	vld.idx.msk [tilespmem:v3+s2+$0x0], $0xffff;
	[tilespmem:s10+$0x160] =	vst v0  }
0x247: {  	s5 =	sadd.s32 $0x80, s5;
	[tilespmem:s10+$0x180] =	vst v9;
	v1 =	vld.idx.msk [tilespmem:v1+s2+$0x0], $0xffff  }
0x248: {  	[tilespmem:s10+$0x190] =	vst v4  }
0x249: {  	[tilespmem:s10+$0x1A0] =	vst v5  }
0x24a: {  	[tilespmem:s10+$0x1B0] =	vst v2  }
0x24b: {  	[tilespmem:s10+$0x1C0] =	vst v6  }
0x24c: {  	[tilespmem:s10+$0x1D0] =	vst v3  }
0x24d: {  	[tilespmem:s10+$0x1E0] =	vst v1  }
0x24e: {  	s5 =	rddreg [dreg:$0xb]  }
0x24f: {  	[hbm4b:s5+s2] =	stream.linear.scatter [tilespmem:s30], [sflag:$0x3], $0x2800, $0x38;
	[tilespmem:$0x1EA00] =	vst v63  }
0x250: {  	_ =	swait.ge [sflag:s1], $0x2800  }
0x251: {  	[sflag:s1] =	ssyncset.done $0x0  }
0x252: {  	[sflag:s1] =	ssyncadd.s32 $0xFFFFD800  }
0x253: {  	_ =	swait.ge [sflag:s8], $0x2800  }
0x254: {  	s9 =	sadd.s32 $0x1, s9;
	s28 =	rddreg [dreg:$0xc]  }
0x255: {  	p2 =	sne.s32 s9, s28  }
.Ltmp4:
0x256: {  	_ = 	snop;
	(pc) =	sbr.rel @p2 .LBB2_1-.Ltmp4, $3  }
0x257: {  	_ =	sdelay $0x1  }
0x258: {  	[sflag:s8] =	ssyncset.done $0x0  }
0x259: {  	[sflag:s8] =	ssyncadd.s32 $0xFFFFD800  }
0x25a: {  	_ =	sfence.sel $0x180000  }
0x25b: {  	[bflag:$0x0] =	sbarrier.arrive $0xFFFF  }
0x25c: {  	_ =	strace $0x90000047  }
0x25d: {  	s0 =	stileid.u32;
	[bflag:$0x2] =	sbarrier.arrive $0xFFFF  }
0x25e: {  	p0 =	sne.s32 s0, $0x0;
	s0 =	rddreg [dreg:$0x2]  }
0x25f: {  	s0 =	sadd.s32 @!p0 $0x100000, s0  }
0x260: {  	[sflag:s0] =	ssyncadd.tile.s32 @!p0 $0x1;
	_ =	shalt  }
.Lfunc_end2:
_tile_overlayer_lowered:
.L_overlay_start_2:
0x261: {  	(tag) =	ssettag $0x2  }
0x262: {  	s0 =	rddreg [dreg:$0x0];
	s2 =	stileid.u32  }
0x263: {  	s1 =	rddreg [dreg:$0x1];
	p0 =	sne.s32 s2, $0x0  }
0x264: {  	s3 =	rddreg [dreg:$0x2];
	[bflag:$0x3] =	sbarrier.arrive $0xFFFF;
	s2 =	simm.s32 @!p0 $0x1C07  }
0x265: {  	[timem:s3], [sflag:s2] =	dma.local @!p0 [hbm:s0], s1  }
0x266: {  	s0 =	simm.s32 @!p0 $0x7  }
0x267: {  	_ =	swait.ge @!p0 [sflag:s0], s1  }
0x268: {  	s1 =	ssub.s32 @!p0 $0x0, s1;
	[sflag:s0] =	ssyncset.done @!p0 $0x0  }
0x269: {  	[sflag:s0] =	ssyncadd.s32 @!p0 s1  }
0x26a: {  	[bflag:$0x3] =	sbarrier.arrive $0xFFFF  }
0x26b: {  	_ =	shalt  }

</sc_bundles>
